<compile_context>
chip_gen: v7x
topology: tpu7x:2x2x1
jax: 0.10.2.dev20260603
libtpu: 0.0.44.dev20260713+nightly
codegen_flags: <defaults>
</compile_context>

<pallas_src>
import functools
import math

import jax
import jax.numpy as jnp
from jax import lax
from jax.experimental import pallas as pl
from jax.experimental.pallas import tpu as pltpu
from jax.experimental.pallas import tpu_sc as plsc

NUM_BUCKETS = 2048
MAX_VALUE = 20000
OUT_DIM = 64
PAD_DIM = 128
BATCH = 4096
HIST = 200
N = BATCH * HIST

CHUNK = 128
NBUF = 8
WREP = 16


def _bucket_lut():
    r = jnp.arange(MAX_VALUE, dtype=jnp.int64)
    max_exact = NUM_BUCKETS // 2
    is_small = r < max_exact
    ratio = r.astype(jnp.float32) / float(max_exact)
    val_if_large = max_exact + (
        jnp.log(ratio) / math.log(MAX_VALUE / max_exact) * (NUM_BUCKETS - max_exact)
    ).astype(jnp.int64)
    val_if_large = jnp.minimum(val_if_large, jnp.full_like(val_if_large, NUM_BUCKETS - 1))
    return jnp.where(is_small, r, val_if_large).astype(jnp.int32)


@jax.jit
def _sc_lookup(raw32, lut, Wp):
    info = plsc.get_sparse_core_info()
    nc, ns, lanes = info.num_cores, info.num_subcores, info.num_lanes
    nw = nc * ns
    per_w = N // nw
    n_chunks = per_w // CHUNK
    n_groups = n_chunks // NBUF
    mesh = plsc.VectorSubcoreMesh(core_axis_name="c", subcore_axis_name="s")

    @functools.partial(
        pl.kernel,
        mesh=mesh,
        compiler_params=pltpu.CompilerParams(
            needs_layout_passes=False, use_tc_tiling_on_sc=False
        ),
        out_type=jax.ShapeDtypeStruct((N, PAD_DIM), jnp.float32),
        scratch_types=[
            pltpu.VMEM((MAX_VALUE,), jnp.int32),
            pltpu.VMEM((per_w,), jnp.int32),
            [pltpu.VMEM((CHUNK, OUT_DIM), jnp.float32) for _ in range(NBUF)],
            [pltpu.SemaphoreType.DMA for _ in range(NBUF)],
            [pltpu.SemaphoreType.DMA for _ in range(NBUF)],
        ],
    )
    def k(raw_hbm, lut_hbm, w_hbm, out_hbm, lut_v, bkt_v, rows, gsem, osem):
        wid = lax.axis_index("s") * jnp.int32(nc) + lax.axis_index("c")
        w_base = wid * jnp.int32(per_w)
        rep_off = (wid % jnp.int32(WREP)) * jnp.int32(NUM_BUCKETS)
        pltpu.sync_copy(lut_hbm, lut_v)
        pltpu.sync_copy(raw_hbm.at[pl.ds(w_base, per_w)], bkt_v)

        def bucketize(kc):
            base = kc * (CHUNK // lanes)
            for j in range(CHUNK // lanes):
                o = (base + j) * lanes
                idx = bkt_v[pl.ds(o, lanes)]
                bkt_v[pl.ds(o, lanes)] = plsc.load_gather(lut_v, [idx]) + rep_off

        def bucketize_group(g, carry):
            lax.fori_loop(
                g * NBUF, (g + 1) * NBUF, lambda kc, c: (bucketize(kc), c)[1], carry
            )
            return carry

        lax.fori_loop(jnp.int32(0), jnp.int32(2), bucketize_group, jnp.int32(0))

        def g_idx(kc):
            return bkt_v.at[pl.ds(kc * CHUNK, CHUNK)]

        for b in range(NBUF):
            pltpu.async_copy(w_hbm.at[g_idx(jnp.int32(b))], rows[b], gsem[b])

        def group(g, carry):
            @pl.when(g + 2 < n_groups)
            def _():
                bucketize_group(g + 2, jnp.int32(0))

            for b in range(NBUF):
                kc = g * NBUF + b
                pltpu.make_async_copy(w_hbm.at[g_idx(jnp.int32(0))], rows[b], gsem[b]).wait()
                pltpu.async_copy(
                    rows[b],
                    out_hbm.at[pl.ds(w_base + kc * CHUNK, CHUNK), pl.ds(0, OUT_DIM)],
                    osem[b],
                )
            for b in range(NBUF):
                kn = jnp.minimum((g + 1) * NBUF + b, jnp.int32(n_chunks - 1))
                pltpu.make_async_copy(
                    rows[b],
                    out_hbm.at[pl.ds(w_base, CHUNK), pl.ds(0, OUT_DIM)],
                    osem[b],
                ).wait()
                pltpu.async_copy(w_hbm.at[g_idx(kn)], rows[b], gsem[b])
            return carry

        lax.fori_loop(jnp.int32(0), jnp.int32(n_groups), group, jnp.int32(0))
        for b in range(NBUF):
            pltpu.make_async_copy(w_hbm.at[g_idx(jnp.int32(0))], rows[b], gsem[b]).wait()

    return k(raw32, lut, Wp)


def kernel(rawcount, W):
    raw32 = rawcount.astype(jnp.int32).reshape(N)
    Wr = jnp.concatenate([W] * WREP, axis=0)
    out = _sc_lookup(raw32, _bucket_lut(), Wr)
    return out.reshape(BATCH, HIST, PAD_DIM)[..., :OUT_DIM]

# --- scband reference (transcript-rebuilt; emitter-appended) ---
"""Pipeline reference for scband-raw-count-encoding-17952963297974 (READ-ONLY COPY).

The authoritative reference and input builder live on the scoring server;
editing this copy changes nothing except your own understanding.
"""

import jax, jax.numpy as jnp
import numpy as np
import math

jax.config.update("jax_enable_x64", True)

NUM_BUCKETS = 2048
MAX_VALUE = 20000
OUT_DIM = 64
BATCH = 4096
HIST = 200


def setup_inputs(seed: int = 0) -> dict:
    key = jax.random.key(seed)
    k1, k2 = jax.random.split(key)
    rawcount = jax.random.randint(k1, (BATCH, HIST), 0, MAX_VALUE, dtype=jnp.int64)
    # embedding table, nn.Embedding default init ~ N(0,1)
    W = jax.random.normal(k2, (NUM_BUCKETS, OUT_DIM), dtype=jnp.float32)
    return {"rawcount": rawcount, "W": W}


def _rawcount_bucket(rawcount, num_buckets, max_value):
    max_exact = num_buckets // 2
    is_small = rawcount < max_exact
    ratio = rawcount.astype(jnp.float32) / float(max_exact)
    val_if_large = max_exact + (
        jnp.log(ratio) / math.log(max_value / max_exact) * (num_buckets - max_exact)
    ).astype(jnp.int64)
    val_if_large = jnp.minimum(val_if_large, jnp.full_like(val_if_large, num_buckets - 1))
    return jnp.where(is_small, rawcount, val_if_large)


def reference(rawcount, W):
    bucket = _rawcount_bucket(rawcount, NUM_BUCKETS, MAX_VALUE)
    # nn.Embedding lookup; Dropout is identity in eval mode
    x = jnp.take(W, bucket, axis=0)
    return x

if __name__ == "__main__":
    import jax
    _d = setup_inputs()
    print(jax.jit(kernel)(*tuple(_d.values())))

</pallas_src>

<mosaic_0001>
#map = affine_map<(d0, d1) -> (0)>
#map1 = affine_map<(d0, d1) -> (0, 0)>
module attributes {stable_mosaic.version = 14 : i64} {
  func.func @k(%arg0: i32, %arg1: i32, %arg2: memref<819200xi32, #tpu.memory_space<hbm>>, %arg3: memref<20000xi32, #tpu.memory_space<hbm>>, %arg4: memref<32768x64xf32, #tpu.memory_space<hbm>>, %arg5: memref<819200x128xf32, #tpu.memory_space<hbm>>, %arg6: memref<20000xi32, #tpu.memory_space<vmem>>, %arg7: memref<25600xi32, #tpu.memory_space<vmem>>, %arg8: memref<128x64xf32, #tpu.memory_space<vmem>>, %arg9: memref<128x64xf32, #tpu.memory_space<vmem>>, %arg10: memref<128x64xf32, #tpu.memory_space<vmem>>, %arg11: memref<128x64xf32, #tpu.memory_space<vmem>>, %arg12: memref<128x64xf32, #tpu.memory_space<vmem>>, %arg13: memref<128x64xf32, #tpu.memory_space<vmem>>, %arg14: memref<128x64xf32, #tpu.memory_space<vmem>>, %arg15: memref<128x64xf32, #tpu.memory_space<vmem>>, %arg16: memref<!tpu.dma_semaphore, #tpu.memory_space<semaphore_mem>>, %arg17: memref<!tpu.dma_semaphore, #tpu.memory_space<semaphore_mem>>, %arg18: memref<!tpu.dma_semaphore, #tpu.memory_space<semaphore_mem>>, %arg19: memref<!tpu.dma_semaphore, #tpu.memory_space<semaphore_mem>>, %arg20: memref<!tpu.dma_semaphore, #tpu.memory_space<semaphore_mem>>, %arg21: memref<!tpu.dma_semaphore, #tpu.memory_space<semaphore_mem>>, %arg22: memref<!tpu.dma_semaphore, #tpu.memory_space<semaphore_mem>>, %arg23: memref<!tpu.dma_semaphore, #tpu.memory_space<semaphore_mem>>, %arg24: memref<!tpu.dma_semaphore, #tpu.memory_space<semaphore_mem>>, %arg25: memref<!tpu.dma_semaphore, #tpu.memory_space<semaphore_mem>>, %arg26: memref<!tpu.dma_semaphore, #tpu.memory_space<semaphore_mem>>, %arg27: memref<!tpu.dma_semaphore, #tpu.memory_space<semaphore_mem>>, %arg28: memref<!tpu.dma_semaphore, #tpu.memory_space<semaphore_mem>>, %arg29: memref<!tpu.dma_semaphore, #tpu.memory_space<semaphore_mem>>, %arg30: memref<!tpu.dma_semaphore, #tpu.memory_space<semaphore_mem>>, %arg31: memref<!tpu.dma_semaphore, #tpu.memory_space<semaphore_mem>>) attributes {dimension_semantics = [#tpu.dimension_semantics<core_parallel>, #tpu.dimension_semantics<subcore_parallel>], iteration_bounds = array<i64: 2, 16>, scalar_prefetch = 0 : i64, scratch_operands = 26 : i64, tpu.core_type = #tpu.core_type<sc_vector_subcore>, window_params = [{transform_indices = #map}, {transform_indices = #map}, {transform_indices = #map1}, {transform_indices = #map1}]} {
    %mul3A = arith.constant 2 : i32
    %mul3A_0 = arith.muli %arg1, %mul3A : i32
    %add3A = arith.addi %mul3A_0, %arg0 : i32
    %mul3A_1 = arith.constant 25600 : i32
    %mul3A_2 = arith.muli %add3A, %mul3A_1 : i32
    %jit3A = arith.constant 16 : i32
    %eq3A = arith.constant 0 : i32
    %eq3A_3 = arith.cmpi eq, %jit3A, %eq3A : i32
    %jit3A_4 = arith.constant 1 : i32
    %select_n3A = arith.select %eq3A_3, %jit3A_4, %jit3A : i32
    %rem3A = arith.remsi %add3A, %select_n3A : i32
    %ne3A = arith.constant 0 : i32
    %ne3A_5 = arith.cmpi ne, %rem3A, %ne3A : i32
    %lt3A = arith.constant 0 : i32
    %lt3A_6 = arith.cmpi slt, %rem3A, %lt3A : i32
    %lt3A_7 = arith.constant 0 : i32
    %lt3A_8 = arith.cmpi slt, %select_n3A, %lt3A_7 : i32
    %ne3A_9 = arith.xori %lt3A_6, %lt3A_8 : i1
    %and3A = arith.andi %ne3A_9, %ne3A_5 : i1
    %add3A_10 = arith.addi %rem3A, %select_n3A : i32
    %select_n3A_11 = arith.select %and3A, %add3A_10, %rem3A : i32
    %mul3A_12 = arith.constant 2048 : i32
    %mul3A_13 = arith.muli %select_n3A_11, %mul3A_12 : i32
    "tpu.region"() ({
      %run_scoped3A = tpu.sem_alloc : memref<!tpu.dma_semaphore, #tpu.memory_space<semaphore_mem>>
      tpu.enqueue_dma source(%arg3 : memref<20000xi32, #tpu.memory_space<hbm>>) target(%arg6 : memref<20000xi32, #tpu.memory_space<vmem>>) target_semaphore(%run_scoped3A : memref<!tpu.dma_semaphore, #tpu.memory_space<semaphore_mem>>)
      tpu.wait_dma2 semaphore(%run_scoped3A : memref<!tpu.dma_semaphore, #tpu.memory_space<semaphore_mem>>) src(%arg3 : memref<20000xi32, #tpu.memory_space<hbm>>) dst(%arg6 : memref<20000xi32, #tpu.memory_space<vmem>>)
      tpu.yield
    }) : () -> ()
    "tpu.region"() ({
      %run_scoped3A = tpu.sem_alloc : memref<!tpu.dma_semaphore, #tpu.memory_space<semaphore_mem>>
      %dma_start3A_145 = tpu.memref_slice %arg2[%mul3A_2] : memref<819200xi32, #tpu.memory_space<hbm>> -> memref<25600xi32, #tpu.memory_space<hbm>>
      %dma_start3A_146 = tpu.memref_slice %arg2[%mul3A_2] : memref<819200xi32, #tpu.memory_space<hbm>> -> memref<25600xi32, #tpu.memory_space<hbm>>
      tpu.enqueue_dma source(%dma_start3A_146 : memref<25600xi32, #tpu.memory_space<hbm>>) target(%arg7 : memref<25600xi32, #tpu.memory_space<vmem>>) target_semaphore(%run_scoped3A : memref<!tpu.dma_semaphore, #tpu.memory_space<semaphore_mem>>)
      %dma_wait3A_147 = tpu.memref_slice %arg2[%mul3A_2] : memref<819200xi32, #tpu.memory_space<hbm>> -> memref<25600xi32, #tpu.memory_space<hbm>>
      %dma_wait3A_148 = tpu.memref_slice %arg2[%mul3A_2] : memref<819200xi32, #tpu.memory_space<hbm>> -> memref<25600xi32, #tpu.memory_space<hbm>>
      tpu.wait_dma2 semaphore(%run_scoped3A : memref<!tpu.dma_semaphore, #tpu.memory_space<semaphore_mem>>) src(%dma_wait3A_148 : memref<25600xi32, #tpu.memory_space<hbm>>) dst(%arg7 : memref<25600xi32, #tpu.memory_space<vmem>>)
      tpu.yield
    }) : () -> ()
    %while3A = arith.constant 0 : i32
    %while3A_14 = arith.constant 0 : i32
    %while3A_15 = arith.constant 2 : i32
    %while3A_16 = arith.subi %while3A_15, %while3A_14 : i32
    %while3A_17 = arith.addi %while3A_14, %while3A_16 : i32
    %while3A_18 = arith.constant 1 : i32
    %while3A_19 = arith.divsi %while3A_16, %while3A_18 : i32
    %while3A_20 = arith.muli %while3A_19, %while3A_18 : i32
    %while3A_21 = arith.addi %while3A_14, %while3A_20 : i32
    %while3A_22 = arith.constant 1 : i32
    scf.for %while3A_145 = %while3A_14 to %while3A_21 step %while3A_22  : i32 {
      %mul3A_146 = arith.constant 8 : i32
      %mul3A_147 = arith.muli %while3A_145, %mul3A_146 : i32
      %add3A_148 = arith.constant 1 : i32
      %add3A_149 = arith.addi %while3A_145, %add3A_148 : i32
      %mul3A_150 = arith.constant 8 : i32
      %mul3A_151 = arith.muli %add3A_149, %mul3A_150 : i32
      %while3A_152 = arith.subi %mul3A_151, %mul3A_147 : i32
      %while3A_153 = arith.addi %mul3A_147, %while3A_152 : i32
      %while3A_154 = arith.constant 1 : i32
      %while3A_155 = arith.divsi %while3A_152, %while3A_154 : i32
      %while3A_156 = arith.muli %while3A_155, %while3A_154 : i32
      %while3A_157 = arith.addi %mul3A_147, %while3A_156 : i32
      %while3A_158 = arith.constant 1 : i32
      scf.for %while3A_160 = %mul3A_147 to %while3A_157 step %while3A_158  : i32 {
        %mul3A_161 = arith.constant 8 : i32
        %mul3A_162 = arith.muli %while3A_160, %mul3A_161 : i32
        %add3A_163 = arith.constant 0 : i32
        %add3A_164 = arith.addi %mul3A_162, %add3A_163 : i32
        %mul3A_165 = arith.constant 16 : i32
        %mul3A_166 = arith.muli %add3A_164, %mul3A_165 : i32
        %get3A = arith.index_cast %mul3A_166 : i32 to index
        %get3A_167 = tpu.vector_load %arg7[%get3A] {strides = array<i32>} : memref<25600xi32, #tpu.memory_space<vmem>>, vector<16xi32>,
        %gather3A = tpu.vector_load_idx %arg6[%get3A_167] : memref<20000xi32, #tpu.memory_space<vmem>>[vector<16xi32>], vector<16xi32>,
        %add3A_168 = vector.broadcast %mul3A_13 : i32 to vector<16xi32>
        %add3A_169 = arith.addi %gather3A, %add3A_168 : vector<16xi32>
        %swap3A = arith.index_cast %mul3A_166 : i32 to index
        %swap3A_170 = tpu.vector_load %arg7[%swap3A] {strides = array<i32>} : memref<25600xi32, #tpu.memory_space<vmem>>, vector<16xi32>,
        tpu.vector_store %arg7[%swap3A], %add3A_169 {strides = array<i32>} : memref<25600xi32, #tpu.memory_space<vmem>>, vector<16xi32>,
        %add3A_171 = arith.constant 1 : i32
        %add3A_172 = arith.addi %mul3A_162, %add3A_171 : i32
        %mul3A_173 = arith.constant 16 : i32
        %mul3A_174 = arith.muli %add3A_172, %mul3A_173 : i32
        %get3A_175 = arith.index_cast %mul3A_174 : i32 to index
        %get3A_176 = tpu.vector_load %arg7[%get3A_175] {strides = array<i32>} : memref<25600xi32, #tpu.memory_space<vmem>>, vector<16xi32>,
        %gather3A_177 = tpu.vector_load_idx %arg6[%get3A_176] : memref<20000xi32, #tpu.memory_space<vmem>>[vector<16xi32>], vector<16xi32>,
        %add3A_178 = vector.broadcast %mul3A_13 : i32 to vector<16xi32>
        %add3A_179 = arith.addi %gather3A_177, %add3A_178 : vector<16xi32>
        %swap3A_180 = arith.index_cast %mul3A_174 : i32 to index
        %swap3A_181 = tpu.vector_load %arg7[%swap3A_180] {strides = array<i32>} : memref<25600xi32, #tpu.memory_space<vmem>>, vector<16xi32>,
        tpu.vector_store %arg7[%swap3A_180], %add3A_179 {strides = array<i32>} : memref<25600xi32, #tpu.memory_space<vmem>>, vector<16xi32>,
        %add3A_182 = arith.constant 2 : i32
        %add3A_183 = arith.addi %mul3A_162, %add3A_182 : i32
        %mul3A_184 = arith.constant 16 : i32
        %mul3A_185 = arith.muli %add3A_183, %mul3A_184 : i32
        %get3A_186 = arith.index_cast %mul3A_185 : i32 to index
        %get3A_187 = tpu.vector_load %arg7[%get3A_186] {strides = array<i32>} : memref<25600xi32, #tpu.memory_space<vmem>>, vector<16xi32>,
        %gather3A_188 = tpu.vector_load_idx %arg6[%get3A_187] : memref<20000xi32, #tpu.memory_space<vmem>>[vector<16xi32>], vector<16xi32>,
        %add3A_189 = vector.broadcast %mul3A_13 : i32 to vector<16xi32>
        %add3A_190 = arith.addi %gather3A_188, %add3A_189 : vector<16xi32>
        %swap3A_191 = arith.index_cast %mul3A_185 : i32 to index
        %swap3A_192 = tpu.vector_load %arg7[%swap3A_191] {strides = array<i32>} : memref<25600xi32, #tpu.memory_space<vmem>>, vector<16xi32>,
        tpu.vector_store %arg7[%swap3A_191], %add3A_190 {strides = array<i32>} : memref<25600xi32, #tpu.memory_space<vmem>>, vector<16xi32>,
        %add3A_193 = arith.constant 3 : i32
        %add3A_194 = arith.addi %mul3A_162, %add3A_193 : i32
        %mul3A_195 = arith.constant 16 : i32
        %mul3A_196 = arith.muli %add3A_194, %mul3A_195 : i32
        %get3A_197 = arith.index_cast %mul3A_196 : i32 to index
        %get3A_198 = tpu.vector_load %arg7[%get3A_197] {strides = array<i32>} : memref<25600xi32, #tpu.memory_space<vmem>>, vector<16xi32>,
        %gather3A_199 = tpu.vector_load_idx %arg6[%get3A_198] : memref<20000xi32, #tpu.memory_space<vmem>>[vector<16xi32>], vector<16xi32>,
        %add3A_200 = vector.broadcast %mul3A_13 : i32 to vector<16xi32>
        %add3A_201 = arith.addi %gather3A_199, %add3A_200 : vector<16xi32>
        %swap3A_202 = arith.index_cast %mul3A_196 : i32 to index
        %swap3A_203 = tpu.vector_load %arg7[%swap3A_202] {strides = array<i32>} : memref<25600xi32, #tpu.memory_space<vmem>>, vector<16xi32>,
        tpu.vector_store %arg7[%swap3A_202], %add3A_201 {strides = array<i32>} : memref<25600xi32, #tpu.memory_space<vmem>>, vector<16xi32>,
        %add3A_204 = arith.constant 4 : i32
        %add3A_205 = arith.addi %mul3A_162, %add3A_204 : i32
        %mul3A_206 = arith.constant 16 : i32
        %mul3A_207 = arith.muli %add3A_205, %mul3A_206 : i32
        %get3A_208 = arith.index_cast %mul3A_207 : i32 to index
        %get3A_209 = tpu.vector_load %arg7[%get3A_208] {strides = array<i32>} : memref<25600xi32, #tpu.memory_space<vmem>>, vector<16xi32>,
        %gather3A_210 = tpu.vector_load_idx %arg6[%get3A_209] : memref<20000xi32, #tpu.memory_space<vmem>>[vector<16xi32>], vector<16xi32>,
        %add3A_211 = vector.broadcast %mul3A_13 : i32 to vector<16xi32>
        %add3A_212 = arith.addi %gather3A_210, %add3A_211 : vector<16xi32>
        %swap3A_213 = arith.index_cast %mul3A_207 : i32 to index
        %swap3A_214 = tpu.vector_load %arg7[%swap3A_213] {strides = array<i32>} : memref<25600xi32, #tpu.memory_space<vmem>>, vector<16xi32>,
        tpu.vector_store %arg7[%swap3A_213], %add3A_212 {strides = array<i32>} : memref<25600xi32, #tpu.memory_space<vmem>>, vector<16xi32>,
        %add3A_215 = arith.constant 5 : i32
        %add3A_216 = arith.addi %mul3A_162, %add3A_215 : i32
        %mul3A_217 = arith.constant 16 : i32
        %mul3A_218 = arith.muli %add3A_216, %mul3A_217 : i32
        %get3A_219 = arith.index_cast %mul3A_218 : i32 to index
        %get3A_220 = tpu.vector_load %arg7[%get3A_219] {strides = array<i32>} : memref<25600xi32, #tpu.memory_space<vmem>>, vector<16xi32>,
        %gather3A_221 = tpu.vector_load_idx %arg6[%get3A_220] : memref<20000xi32, #tpu.memory_space<vmem>>[vector<16xi32>], vector<16xi32>,
        %add3A_222 = vector.broadcast %mul3A_13 : i32 to vector<16xi32>
        %add3A_223 = arith.addi %gather3A_221, %add3A_222 : vector<16xi32>
        %swap3A_224 = arith.index_cast %mul3A_218 : i32 to index
        %swap3A_225 = tpu.vector_load %arg7[%swap3A_224] {strides = array<i32>} : memref<25600xi32, #tpu.memory_space<vmem>>, vector<16xi32>,
        tpu.vector_store %arg7[%swap3A_224], %add3A_223 {strides = array<i32>} : memref<25600xi32, #tpu.memory_space<vmem>>, vector<16xi32>,
        %add3A_226 = arith.constant 6 : i32
        %add3A_227 = arith.addi %mul3A_162, %add3A_226 : i32
        %mul3A_228 = arith.constant 16 : i32
        %mul3A_229 = arith.muli %add3A_227, %mul3A_228 : i32
        %get3A_230 = arith.index_cast %mul3A_229 : i32 to index
        %get3A_231 = tpu.vector_load %arg7[%get3A_230] {strides = array<i32>} : memref<25600xi32, #tpu.memory_space<vmem>>, vector<16xi32>,
        %gather3A_232 = tpu.vector_load_idx %arg6[%get3A_231] : memref<20000xi32, #tpu.memory_space<vmem>>[vector<16xi32>], vector<16xi32>,
        %add3A_233 = vector.broadcast %mul3A_13 : i32 to vector<16xi32>
        %add3A_234 = arith.addi %gather3A_232, %add3A_233 : vector<16xi32>
        %swap3A_235 = arith.index_cast %mul3A_229 : i32 to index
        %swap3A_236 = tpu.vector_load %arg7[%swap3A_235] {strides = array<i32>} : memref<25600xi32, #tpu.memory_space<vmem>>, vector<16xi32>,
        tpu.vector_store %arg7[%swap3A_235], %add3A_234 {strides = array<i32>} : memref<25600xi32, #tpu.memory_space<vmem>>, vector<16xi32>,
        %add3A_237 = arith.constant 7 : i32
        %add3A_238 = arith.addi %mul3A_162, %add3A_237 : i32
        %mul3A_239 = arith.constant 16 : i32
        %mul3A_240 = arith.muli %add3A_238, %mul3A_239 : i32
        %get3A_241 = arith.index_cast %mul3A_240 : i32 to index
        %get3A_242 = tpu.vector_load %arg7[%get3A_241] {strides = array<i32>} : memref<25600xi32, #tpu.memory_space<vmem>>, vector<16xi32>,
        %gather3A_243 = tpu.vector_load_idx %arg6[%get3A_242] : memref<20000xi32, #tpu.memory_space<vmem>>[vector<16xi32>], vector<16xi32>,
        %add3A_244 = vector.broadcast %mul3A_13 : i32 to vector<16xi32>
        %add3A_245 = arith.addi %gather3A_243, %add3A_244 : vector<16xi32>
        %swap3A_246 = arith.index_cast %mul3A_240 : i32 to index
        %swap3A_247 = tpu.vector_load %arg7[%swap3A_246] {strides = array<i32>} : memref<25600xi32, #tpu.memory_space<vmem>>, vector<16xi32>,
        tpu.vector_store %arg7[%swap3A_246], %add3A_245 {strides = array<i32>} : memref<25600xi32, #tpu.memory_space<vmem>>, vector<16xi32>,
      }
      %while3A_159 = arith.constant 1 : i32
      scf.for %while3A_160 = %while3A_157 to %while3A_153 step %while3A_159  : i32 {
        %mul3A_161 = arith.constant 8 : i32
        %mul3A_162 = arith.muli %while3A_160, %mul3A_161 : i32
        %add3A_163 = arith.constant 0 : i32
        %add3A_164 = arith.addi %mul3A_162, %add3A_163 : i32
        %mul3A_165 = arith.constant 16 : i32
        %mul3A_166 = arith.muli %add3A_164, %mul3A_165 : i32
        %get3A = arith.index_cast %mul3A_166 : i32 to index
        %get3A_167 = tpu.vector_load %arg7[%get3A] {strides = array<i32>} : memref<25600xi32, #tpu.memory_space<vmem>>, vector<16xi32>,
        %gather3A = tpu.vector_load_idx %arg6[%get3A_167] : memref<20000xi32, #tpu.memory_space<vmem>>[vector<16xi32>], vector<16xi32>,
        %add3A_168 = vector.broadcast %mul3A_13 : i32 to vector<16xi32>
        %add3A_169 = arith.addi %gather3A, %add3A_168 : vector<16xi32>
        %swap3A = arith.index_cast %mul3A_166 : i32 to index
        %swap3A_170 = tpu.vector_load %arg7[%swap3A] {strides = array<i32>} : memref<25600xi32, #tpu.memory_space<vmem>>, vector<16xi32>,
        tpu.vector_store %arg7[%swap3A], %add3A_169 {strides = array<i32>} : memref<25600xi32, #tpu.memory_space<vmem>>, vector<16xi32>,
        %add3A_171 = arith.constant 1 : i32
        %add3A_172 = arith.addi %mul3A_162, %add3A_171 : i32
        %mul3A_173 = arith.constant 16 : i32
        %mul3A_174 = arith.muli %add3A_172, %mul3A_173 : i32
        %get3A_175 = arith.index_cast %mul3A_174 : i32 to index
        %get3A_176 = tpu.vector_load %arg7[%get3A_175] {strides = array<i32>} : memref<25600xi32, #tpu.memory_space<vmem>>, vector<16xi32>,
        %gather3A_177 = tpu.vector_load_idx %arg6[%get3A_176] : memref<20000xi32, #tpu.memory_space<vmem>>[vector<16xi32>], vector<16xi32>,
        %add3A_178 = vector.broadcast %mul3A_13 : i32 to vector<16xi32>
        %add3A_179 = arith.addi %gather3A_177, %add3A_178 : vector<16xi32>
        %swap3A_180 = arith.index_cast %mul3A_174 : i32 to index
        %swap3A_181 = tpu.vector_load %arg7[%swap3A_180] {strides = array<i32>} : memref<25600xi32, #tpu.memory_space<vmem>>, vector<16xi32>,
        tpu.vector_store %arg7[%swap3A_180], %add3A_179 {strides = array<i32>} : memref<25600xi32, #tpu.memory_space<vmem>>, vector<16xi32>,
        %add3A_182 = arith.constant 2 : i32
        %add3A_183 = arith.addi %mul3A_162, %add3A_182 : i32
        %mul3A_184 = arith.constant 16 : i32
        %mul3A_185 = arith.muli %add3A_183, %mul3A_184 : i32
        %get3A_186 = arith.index_cast %mul3A_185 : i32 to index
        %get3A_187 = tpu.vector_load %arg7[%get3A_186] {strides = array<i32>} : memref<25600xi32, #tpu.memory_space<vmem>>, vector<16xi32>,
        %gather3A_188 = tpu.vector_load_idx %arg6[%get3A_187] : memref<20000xi32, #tpu.memory_space<vmem>>[vector<16xi32>], vector<16xi32>,
        %add3A_189 = vector.broadcast %mul3A_13 : i32 to vector<16xi32>
        %add3A_190 = arith.addi %gather3A_188, %add3A_189 : vector<16xi32>
        %swap3A_191 = arith.index_cast %mul3A_185 : i32 to index
        %swap3A_192 = tpu.vector_load %arg7[%swap3A_191] {strides = array<i32>} : memref<25600xi32, #tpu.memory_space<vmem>>, vector<16xi32>,
        tpu.vector_store %arg7[%swap3A_191], %add3A_190 {strides = array<i32>} : memref<25600xi32, #tpu.memory_space<vmem>>, vector<16xi32>,
        %add3A_193 = arith.constant 3 : i32
        %add3A_194 = arith.addi %mul3A_162, %add3A_193 : i32
        %mul3A_195 = arith.constant 16 : i32
        %mul3A_196 = arith.muli %add3A_194, %mul3A_195 : i32
        %get3A_197 = arith.index_cast %mul3A_196 : i32 to index
        %get3A_198 = tpu.vector_load %arg7[%get3A_197] {strides = array<i32>} : memref<25600xi32, #tpu.memory_space<vmem>>, vector<16xi32>,
        %gather3A_199 = tpu.vector_load_idx %arg6[%get3A_198] : memref<20000xi32, #tpu.memory_space<vmem>>[vector<16xi32>], vector<16xi32>,
        %add3A_200 = vector.broadcast %mul3A_13 : i32 to vector<16xi32>
        %add3A_201 = arith.addi %gather3A_199, %add3A_200 : vector<16xi32>
        %swap3A_202 = arith.index_cast %mul3A_196 : i32 to index
        %swap3A_203 = tpu.vector_load %arg7[%swap3A_202] {strides = array<i32>} : memref<25600xi32, #tpu.memory_space<vmem>>, vector<16xi32>,
        tpu.vector_store %arg7[%swap3A_202], %add3A_201 {strides = array<i32>} : memref<25600xi32, #tpu.memory_space<vmem>>, vector<16xi32>,
        %add3A_204 = arith.constant 4 : i32
        %add3A_205 = arith.addi %mul3A_162, %add3A_204 : i32
        %mul3A_206 = arith.constant 16 : i32
        %mul3A_207 = arith.muli %add3A_205, %mul3A_206 : i32
        %get3A_208 = arith.index_cast %mul3A_207 : i32 to index
        %get3A_209 = tpu.vector_load %arg7[%get3A_208] {strides = array<i32>} : memref<25600xi32, #tpu.memory_space<vmem>>, vector<16xi32>,
        %gather3A_210 = tpu.vector_load_idx %arg6[%get3A_209] : memref<20000xi32, #tpu.memory_space<vmem>>[vector<16xi32>], vector<16xi32>,
        %add3A_211 = vector.broadcast %mul3A_13 : i32 to vector<16xi32>
        %add3A_212 = arith.addi %gather3A_210, %add3A_211 : vector<16xi32>
        %swap3A_213 = arith.index_cast %mul3A_207 : i32 to index
        %swap3A_214 = tpu.vector_load %arg7[%swap3A_213] {strides = array<i32>} : memref<25600xi32, #tpu.memory_space<vmem>>, vector<16xi32>,
        tpu.vector_store %arg7[%swap3A_213], %add3A_212 {strides = array<i32>} : memref<25600xi32, #tpu.memory_space<vmem>>, vector<16xi32>,
        %add3A_215 = arith.constant 5 : i32
        %add3A_216 = arith.addi %mul3A_162, %add3A_215 : i32
        %mul3A_217 = arith.constant 16 : i32
        %mul3A_218 = arith.muli %add3A_216, %mul3A_217 : i32
        %get3A_219 = arith.index_cast %mul3A_218 : i32 to index
        %get3A_220 = tpu.vector_load %arg7[%get3A_219] {strides = array<i32>} : memref<25600xi32, #tpu.memory_space<vmem>>, vector<16xi32>,
        %gather3A_221 = tpu.vector_load_idx %arg6[%get3A_220] : memref<20000xi32, #tpu.memory_space<vmem>>[vector<16xi32>], vector<16xi32>,
        %add3A_222 = vector.broadcast %mul3A_13 : i32 to vector<16xi32>
        %add3A_223 = arith.addi %gather3A_221, %add3A_222 : vector<16xi32>
        %swap3A_224 = arith.index_cast %mul3A_218 : i32 to index
        %swap3A_225 = tpu.vector_load %arg7[%swap3A_224] {strides = array<i32>} : memref<25600xi32, #tpu.memory_space<vmem>>, vector<16xi32>,
        tpu.vector_store %arg7[%swap3A_224], %add3A_223 {strides = array<i32>} : memref<25600xi32, #tpu.memory_space<vmem>>, vector<16xi32>,
        %add3A_226 = arith.constant 6 : i32
        %add3A_227 = arith.addi %mul3A_162, %add3A_226 : i32
        %mul3A_228 = arith.constant 16 : i32
        %mul3A_229 = arith.muli %add3A_227, %mul3A_228 : i32
        %get3A_230 = arith.index_cast %mul3A_229 : i32 to index
        %get3A_231 = tpu.vector_load %arg7[%get3A_230] {strides = array<i32>} : memref<25600xi32, #tpu.memory_space<vmem>>, vector<16xi32>,
        %gather3A_232 = tpu.vector_load_idx %arg6[%get3A_231] : memref<20000xi32, #tpu.memory_space<vmem>>[vector<16xi32>], vector<16xi32>,
        %add3A_233 = vector.broadcast %mul3A_13 : i32 to vector<16xi32>
        %add3A_234 = arith.addi %gather3A_232, %add3A_233 : vector<16xi32>
        %swap3A_235 = arith.index_cast %mul3A_229 : i32 to index
        %swap3A_236 = tpu.vector_load %arg7[%swap3A_235] {strides = array<i32>} : memref<25600xi32, #tpu.memory_space<vmem>>, vector<16xi32>,
        tpu.vector_store %arg7[%swap3A_235], %add3A_234 {strides = array<i32>} : memref<25600xi32, #tpu.memory_space<vmem>>, vector<16xi32>,
        %add3A_237 = arith.constant 7 : i32
        %add3A_238 = arith.addi %mul3A_162, %add3A_237 : i32
        %mul3A_239 = arith.constant 16 : i32
        %mul3A_240 = arith.muli %add3A_238, %mul3A_239 : i32
        %get3A_241 = arith.index_cast %mul3A_240 : i32 to index
        %get3A_242 = tpu.vector_load %arg7[%get3A_241] {strides = array<i32>} : memref<25600xi32, #tpu.memory_space<vmem>>, vector<16xi32>,
        %gather3A_243 = tpu.vector_load_idx %arg6[%get3A_242] : memref<20000xi32, #tpu.memory_space<vmem>>[vector<16xi32>], vector<16xi32>,
        %add3A_244 = vector.broadcast %mul3A_13 : i32 to vector<16xi32>
        %add3A_245 = arith.addi %gather3A_243, %add3A_244 : vector<16xi32>
        %swap3A_246 = arith.index_cast %mul3A_240 : i32 to index
        %swap3A_247 = tpu.vector_load %arg7[%swap3A_246] {strides = array<i32>} : memref<25600xi32, #tpu.memory_space<vmem>>, vector<16xi32>,
        tpu.vector_store %arg7[%swap3A_246], %add3A_245 {strides = array<i32>} : memref<25600xi32, #tpu.memory_space<vmem>>, vector<16xi32>,
      }
    }
    %while3A_23 = arith.constant 1 : i32
    scf.for %while3A_145 = %while3A_21 to %while3A_17 step %while3A_23  : i32 {
      %mul3A_146 = arith.constant 8 : i32
      %mul3A_147 = arith.muli %while3A_145, %mul3A_146 : i32
      %add3A_148 = arith.constant 1 : i32
      %add3A_149 = arith.addi %while3A_145, %add3A_148 : i32
      %mul3A_150 = arith.constant 8 : i32
      %mul3A_151 = arith.muli %add3A_149, %mul3A_150 : i32
      %while3A_152 = arith.subi %mul3A_151, %mul3A_147 : i32
      %while3A_153 = arith.addi %mul3A_147, %while3A_152 : i32
      %while3A_154 = arith.constant 1 : i32
      %while3A_155 = arith.divsi %while3A_152, %while3A_154 : i32
      %while3A_156 = arith.muli %while3A_155, %while3A_154 : i32
      %while3A_157 = arith.addi %mul3A_147, %while3A_156 : i32
      %while3A_158 = arith.constant 1 : i32
      scf.for %while3A_160 = %mul3A_147 to %while3A_157 step %while3A_158  : i32 {
        %mul3A_161 = arith.constant 8 : i32
        %mul3A_162 = arith.muli %while3A_160, %mul3A_161 : i32
        %add3A_163 = arith.constant 0 : i32
        %add3A_164 = arith.addi %mul3A_162, %add3A_163 : i32
        %mul3A_165 = arith.constant 16 : i32
        %mul3A_166 = arith.muli %add3A_164, %mul3A_165 : i32
        %get3A = arith.index_cast %mul3A_166 : i32 to index
        %get3A_167 = tpu.vector_load %arg7[%get3A] {strides = array<i32>} : memref<25600xi32, #tpu.memory_space<vmem>>, vector<16xi32>,
        %gather3A = tpu.vector_load_idx %arg6[%get3A_167] : memref<20000xi32, #tpu.memory_space<vmem>>[vector<16xi32>], vector<16xi32>,
        %add3A_168 = vector.broadcast %mul3A_13 : i32 to vector<16xi32>
        %add3A_169 = arith.addi %gather3A, %add3A_168 : vector<16xi32>
        %swap3A = arith.index_cast %mul3A_166 : i32 to index
        %swap3A_170 = tpu.vector_load %arg7[%swap3A] {strides = array<i32>} : memref<25600xi32, #tpu.memory_space<vmem>>, vector<16xi32>,
        tpu.vector_store %arg7[%swap3A], %add3A_169 {strides = array<i32>} : memref<25600xi32, #tpu.memory_space<vmem>>, vector<16xi32>,
        %add3A_171 = arith.constant 1 : i32
        %add3A_172 = arith.addi %mul3A_162, %add3A_171 : i32
        %mul3A_173 = arith.constant 16 : i32
        %mul3A_174 = arith.muli %add3A_172, %mul3A_173 : i32
        %get3A_175 = arith.index_cast %mul3A_174 : i32 to index
        %get3A_176 = tpu.vector_load %arg7[%get3A_175] {strides = array<i32>} : memref<25600xi32, #tpu.memory_space<vmem>>, vector<16xi32>,
        %gather3A_177 = tpu.vector_load_idx %arg6[%get3A_176] : memref<20000xi32, #tpu.memory_space<vmem>>[vector<16xi32>], vector<16xi32>,
        %add3A_178 = vector.broadcast %mul3A_13 : i32 to vector<16xi32>
        %add3A_179 = arith.addi %gather3A_177, %add3A_178 : vector<16xi32>
        %swap3A_180 = arith.index_cast %mul3A_174 : i32 to index
        %swap3A_181 = tpu.vector_load %arg7[%swap3A_180] {strides = array<i32>} : memref<25600xi32, #tpu.memory_space<vmem>>, vector<16xi32>,
        tpu.vector_store %arg7[%swap3A_180], %add3A_179 {strides = array<i32>} : memref<25600xi32, #tpu.memory_space<vmem>>, vector<16xi32>,
        %add3A_182 = arith.constant 2 : i32
        %add3A_183 = arith.addi %mul3A_162, %add3A_182 : i32
        %mul3A_184 = arith.constant 16 : i32
        %mul3A_185 = arith.muli %add3A_183, %mul3A_184 : i32
        %get3A_186 = arith.index_cast %mul3A_185 : i32 to index
        %get3A_187 = tpu.vector_load %arg7[%get3A_186] {strides = array<i32>} : memref<25600xi32, #tpu.memory_space<vmem>>, vector<16xi32>,
        %gather3A_188 = tpu.vector_load_idx %arg6[%get3A_187] : memref<20000xi32, #tpu.memory_space<vmem>>[vector<16xi32>], vector<16xi32>,
        %add3A_189 = vector.broadcast %mul3A_13 : i32 to vector<16xi32>
        %add3A_190 = arith.addi %gather3A_188, %add3A_189 : vector<16xi32>
        %swap3A_191 = arith.index_cast %mul3A_185 : i32 to index
        %swap3A_192 = tpu.vector_load %arg7[%swap3A_191] {strides = array<i32>} : memref<25600xi32, #tpu.memory_space<vmem>>, vector<16xi32>,
        tpu.vector_store %arg7[%swap3A_191], %add3A_190 {strides = array<i32>} : memref<25600xi32, #tpu.memory_space<vmem>>, vector<16xi32>,
        %add3A_193 = arith.constant 3 : i32
        %add3A_194 = arith.addi %mul3A_162, %add3A_193 : i32
        %mul3A_195 = arith.constant 16 : i32
        %mul3A_196 = arith.muli %add3A_194, %mul3A_195 : i32
        %get3A_197 = arith.index_cast %mul3A_196 : i32 to index
        %get3A_198 = tpu.vector_load %arg7[%get3A_197] {strides = array<i32>} : memref<25600xi32, #tpu.memory_space<vmem>>, vector<16xi32>,
        %gather3A_199 = tpu.vector_load_idx %arg6[%get3A_198] : memref<20000xi32, #tpu.memory_space<vmem>>[vector<16xi32>], vector<16xi32>,
        %add3A_200 = vector.broadcast %mul3A_13 : i32 to vector<16xi32>
        %add3A_201 = arith.addi %gather3A_199, %add3A_200 : vector<16xi32>
        %swap3A_202 = arith.index_cast %mul3A_196 : i32 to index
        %swap3A_203 = tpu.vector_load %arg7[%swap3A_202] {strides = array<i32>} : memref<25600xi32, #tpu.memory_space<vmem>>, vector<16xi32>,
        tpu.vector_store %arg7[%swap3A_202], %add3A_201 {strides = array<i32>} : memref<25600xi32, #tpu.memory_space<vmem>>, vector<16xi32>,
        %add3A_204 = arith.constant 4 : i32
        %add3A_205 = arith.addi %mul3A_162, %add3A_204 : i32
        %mul3A_206 = arith.constant 16 : i32
        %mul3A_207 = arith.muli %add3A_205, %mul3A_206 : i32
        %get3A_208 = arith.index_cast %mul3A_207 : i32 to index
        %get3A_209 = tpu.vector_load %arg7[%get3A_208] {strides = array<i32>} : memref<25600xi32, #tpu.memory_space<vmem>>, vector<16xi32>,
        %gather3A_210 = tpu.vector_load_idx %arg6[%get3A_209] : memref<20000xi32, #tpu.memory_space<vmem>>[vector<16xi32>], vector<16xi32>,
        %add3A_211 = vector.broadcast %mul3A_13 : i32 to vector<16xi32>
        %add3A_212 = arith.addi %gather3A_210, %add3A_211 : vector<16xi32>
        %swap3A_213 = arith.index_cast %mul3A_207 : i32 to index
        %swap3A_214 = tpu.vector_load %arg7[%swap3A_213] {strides = array<i32>} : memref<25600xi32, #tpu.memory_space<vmem>>, vector<16xi32>,
        tpu.vector_store %arg7[%swap3A_213], %add3A_212 {strides = array<i32>} : memref<25600xi32, #tpu.memory_space<vmem>>, vector<16xi32>,
        %add3A_215 = arith.constant 5 : i32
        %add3A_216 = arith.addi %mul3A_162, %add3A_215 : i32
        %mul3A_217 = arith.constant 16 : i32
        %mul3A_218 = arith.muli %add3A_216, %mul3A_217 : i32
        %get3A_219 = arith.index_cast %mul3A_218 : i32 to index
        %get3A_220 = tpu.vector_load %arg7[%get3A_219] {strides = array<i32>} : memref<25600xi32, #tpu.memory_space<vmem>>, vector<16xi32>,
        %gather3A_221 = tpu.vector_load_idx %arg6[%get3A_220] : memref<20000xi32, #tpu.memory_space<vmem>>[vector<16xi32>], vector<16xi32>,
        %add3A_222 = vector.broadcast %mul3A_13 : i32 to vector<16xi32>
        %add3A_223 = arith.addi %gather3A_221, %add3A_222 : vector<16xi32>
        %swap3A_224 = arith.index_cast %mul3A_218 : i32 to index
        %swap3A_225 = tpu.vector_load %arg7[%swap3A_224] {strides = array<i32>} : memref<25600xi32, #tpu.memory_space<vmem>>, vector<16xi32>,
        tpu.vector_store %arg7[%swap3A_224], %add3A_223 {strides = array<i32>} : memref<25600xi32, #tpu.memory_space<vmem>>, vector<16xi32>,
        %add3A_226 = arith.constant 6 : i32
        %add3A_227 = arith.addi %mul3A_162, %add3A_226 : i32
        %mul3A_228 = arith.constant 16 : i32
        %mul3A_229 = arith.muli %add3A_227, %mul3A_228 : i32
        %get3A_230 = arith.index_cast %mul3A_229 : i32 to index
        %get3A_231 = tpu.vector_load %arg7[%get3A_230] {strides = array<i32>} : memref<25600xi32, #tpu.memory_space<vmem>>, vector<16xi32>,
        %gather3A_232 = tpu.vector_load_idx %arg6[%get3A_231] : memref<20000xi32, #tpu.memory_space<vmem>>[vector<16xi32>], vector<16xi32>,
        %add3A_233 = vector.broadcast %mul3A_13 : i32 to vector<16xi32>
        %add3A_234 = arith.addi %gather3A_232, %add3A_233 : vector<16xi32>
        %swap3A_235 = arith.index_cast %mul3A_229 : i32 to index
        %swap3A_236 = tpu.vector_load %arg7[%swap3A_235] {strides = array<i32>} : memref<25600xi32, #tpu.memory_space<vmem>>, vector<16xi32>,
        tpu.vector_store %arg7[%swap3A_235], %add3A_234 {strides = array<i32>} : memref<25600xi32, #tpu.memory_space<vmem>>, vector<16xi32>,
        %add3A_237 = arith.constant 7 : i32
        %add3A_238 = arith.addi %mul3A_162, %add3A_237 : i32
        %mul3A_239 = arith.constant 16 : i32
        %mul3A_240 = arith.muli %add3A_238, %mul3A_239 : i32
        %get3A_241 = arith.index_cast %mul3A_240 : i32 to index
        %get3A_242 = tpu.vector_load %arg7[%get3A_241] {strides = array<i32>} : memref<25600xi32, #tpu.memory_space<vmem>>, vector<16xi32>,
        %gather3A_243 = tpu.vector_load_idx %arg6[%get3A_242] : memref<20000xi32, #tpu.memory_space<vmem>>[vector<16xi32>], vector<16xi32>,
        %add3A_244 = vector.broadcast %mul3A_13 : i32 to vector<16xi32>
        %add3A_245 = arith.addi %gather3A_243, %add3A_244 : vector<16xi32>
        %swap3A_246 = arith.index_cast %mul3A_240 : i32 to index
        %swap3A_247 = tpu.vector_load %arg7[%swap3A_246] {strides = array<i32>} : memref<25600xi32, #tpu.memory_space<vmem>>, vector<16xi32>,
        tpu.vector_store %arg7[%swap3A_246], %add3A_245 {strides = array<i32>} : memref<25600xi32, #tpu.memory_space<vmem>>, vector<16xi32>,
      }
      %while3A_159 = arith.constant 1 : i32
      scf.for %while3A_160 = %while3A_157 to %while3A_153 step %while3A_159  : i32 {
        %mul3A_161 = arith.constant 8 : i32
        %mul3A_162 = arith.muli %while3A_160, %mul3A_161 : i32
        %add3A_163 = arith.constant 0 : i32
        %add3A_164 = arith.addi %mul3A_162, %add3A_163 : i32
        %mul3A_165 = arith.constant 16 : i32
        %mul3A_166 = arith.muli %add3A_164, %mul3A_165 : i32
        %get3A = arith.index_cast %mul3A_166 : i32 to index
        %get3A_167 = tpu.vector_load %arg7[%get3A] {strides = array<i32>} : memref<25600xi32, #tpu.memory_space<vmem>>, vector<16xi32>,
        %gather3A = tpu.vector_load_idx %arg6[%get3A_167] : memref<20000xi32, #tpu.memory_space<vmem>>[vector<16xi32>], vector<16xi32>,
        %add3A_168 = vector.broadcast %mul3A_13 : i32 to vector<16xi32>
        %add3A_169 = arith.addi %gather3A, %add3A_168 : vector<16xi32>
        %swap3A = arith.index_cast %mul3A_166 : i32 to index
        %swap3A_170 = tpu.vector_load %arg7[%swap3A] {strides = array<i32>} : memref<25600xi32, #tpu.memory_space<vmem>>, vector<16xi32>,
        tpu.vector_store %arg7[%swap3A], %add3A_169 {strides = array<i32>} : memref<25600xi32, #tpu.memory_space<vmem>>, vector<16xi32>,
        %add3A_171 = arith.constant 1 : i32
        %add3A_172 = arith.addi %mul3A_162, %add3A_171 : i32
        %mul3A_173 = arith.constant 16 : i32
        %mul3A_174 = arith.muli %add3A_172, %mul3A_173 : i32
        %get3A_175 = arith.index_cast %mul3A_174 : i32 to index
        %get3A_176 = tpu.vector_load %arg7[%get3A_175] {strides = array<i32>} : memref<25600xi32, #tpu.memory_space<vmem>>, vector<16xi32>,
        %gather3A_177 = tpu.vector_load_idx %arg6[%get3A_176] : memref<20000xi32, #tpu.memory_space<vmem>>[vector<16xi32>], vector<16xi32>,
        %add3A_178 = vector.broadcast %mul3A_13 : i32 to vector<16xi32>
        %add3A_179 = arith.addi %gather3A_177, %add3A_178 : vector<16xi32>
        %swap3A_180 = arith.index_cast %mul3A_174 : i32 to index
        %swap3A_181 = tpu.vector_load %arg7[%swap3A_180] {strides = array<i32>} : memref<25600xi32, #tpu.memory_space<vmem>>, vector<16xi32>,
        tpu.vector_store %arg7[%swap3A_180], %add3A_179 {strides = array<i32>} : memref<25600xi32, #tpu.memory_space<vmem>>, vector<16xi32>,
        %add3A_182 = arith.constant 2 : i32
        %add3A_183 = arith.addi %mul3A_162, %add3A_182 : i32
        %mul3A_184 = arith.constant 16 : i32
        %mul3A_185 = arith.muli %add3A_183, %mul3A_184 : i32
        %get3A_186 = arith.index_cast %mul3A_185 : i32 to index
        %get3A_187 = tpu.vector_load %arg7[%get3A_186] {strides = array<i32>} : memref<25600xi32, #tpu.memory_space<vmem>>, vector<16xi32>,
        %gather3A_188 = tpu.vector_load_idx %arg6[%get3A_187] : memref<20000xi32, #tpu.memory_space<vmem>>[vector<16xi32>], vector<16xi32>,
        %add3A_189 = vector.broadcast %mul3A_13 : i32 to vector<16xi32>
        %add3A_190 = arith.addi %gather3A_188, %add3A_189 : vector<16xi32>
        %swap3A_191 = arith.index_cast %mul3A_185 : i32 to index
        %swap3A_192 = tpu.vector_load %arg7[%swap3A_191] {strides = array<i32>} : memref<25600xi32, #tpu.memory_space<vmem>>, vector<16xi32>,
        tpu.vector_store %arg7[%swap3A_191], %add3A_190 {strides = array<i32>} : memref<25600xi32, #tpu.memory_space<vmem>>, vector<16xi32>,
        %add3A_193 = arith.constant 3 : i32
        %add3A_194 = arith.addi %mul3A_162, %add3A_193 : i32
        %mul3A_195 = arith.constant 16 : i32
        %mul3A_196 = arith.muli %add3A_194, %mul3A_195 : i32
        %get3A_197 = arith.index_cast %mul3A_196 : i32 to index
        %get3A_198 = tpu.vector_load %arg7[%get3A_197] {strides = array<i32>} : memref<25600xi32, #tpu.memory_space<vmem>>, vector<16xi32>,
        %gather3A_199 = tpu.vector_load_idx %arg6[%get3A_198] : memref<20000xi32, #tpu.memory_space<vmem>>[vector<16xi32>], vector<16xi32>,
        %add3A_200 = vector.broadcast %mul3A_13 : i32 to vector<16xi32>
        %add3A_201 = arith.addi %gather3A_199, %add3A_200 : vector<16xi32>
        %swap3A_202 = arith.index_cast %mul3A_196 : i32 to index
        %swap3A_203 = tpu.vector_load %arg7[%swap3A_202] {strides = array<i32>} : memref<25600xi32, #tpu.memory_space<vmem>>, vector<16xi32>,
        tpu.vector_store %arg7[%swap3A_202], %add3A_201 {strides = array<i32>} : memref<25600xi32, #tpu.memory_space<vmem>>, vector<16xi32>,
        %add3A_204 = arith.constant 4 : i32
        %add3A_205 = arith.addi %mul3A_162, %add3A_204 : i32
        %mul3A_206 = arith.constant 16 : i32
        %mul3A_207 = arith.muli %add3A_205, %mul3A_206 : i32
        %get3A_208 = arith.index_cast %mul3A_207 : i32 to index
        %get3A_209 = tpu.vector_load %arg7[%get3A_208] {strides = array<i32>} : memref<25600xi32, #tpu.memory_space<vmem>>, vector<16xi32>,
        %gather3A_210 = tpu.vector_load_idx %arg6[%get3A_209] : memref<20000xi32, #tpu.memory_space<vmem>>[vector<16xi32>], vector<16xi32>,
        %add3A_211 = vector.broadcast %mul3A_13 : i32 to vector<16xi32>
        %add3A_212 = arith.addi %gather3A_210, %add3A_211 : vector<16xi32>
        %swap3A_213 = arith.index_cast %mul3A_207 : i32 to index
        %swap3A_214 = tpu.vector_load %arg7[%swap3A_213] {strides = array<i32>} : memref<25600xi32, #tpu.memory_space<vmem>>, vector<16xi32>,
        tpu.vector_store %arg7[%swap3A_213], %add3A_212 {strides = array<i32>} : memref<25600xi32, #tpu.memory_space<vmem>>, vector<16xi32>,
        %add3A_215 = arith.constant 5 : i32
        %add3A_216 = arith.addi %mul3A_162, %add3A_215 : i32
        %mul3A_217 = arith.constant 16 : i32
        %mul3A_218 = arith.muli %add3A_216, %mul3A_217 : i32
        %get3A_219 = arith.index_cast %mul3A_218 : i32 to index
        %get3A_220 = tpu.vector_load %arg7[%get3A_219] {strides = array<i32>} : memref<25600xi32, #tpu.memory_space<vmem>>, vector<16xi32>,
        %gather3A_221 = tpu.vector_load_idx %arg6[%get3A_220] : memref<20000xi32, #tpu.memory_space<vmem>>[vector<16xi32>], vector<16xi32>,
        %add3A_222 = vector.broadcast %mul3A_13 : i32 to vector<16xi32>
        %add3A_223 = arith.addi %gather3A_221, %add3A_222 : vector<16xi32>
        %swap3A_224 = arith.index_cast %mul3A_218 : i32 to index
        %swap3A_225 = tpu.vector_load %arg7[%swap3A_224] {strides = array<i32>} : memref<25600xi32, #tpu.memory_space<vmem>>, vector<16xi32>,
        tpu.vector_store %arg7[%swap3A_224], %add3A_223 {strides = array<i32>} : memref<25600xi32, #tpu.memory_space<vmem>>, vector<16xi32>,
        %add3A_226 = arith.constant 6 : i32
        %add3A_227 = arith.addi %mul3A_162, %add3A_226 : i32
        %mul3A_228 = arith.constant 16 : i32
        %mul3A_229 = arith.muli %add3A_227, %mul3A_228 : i32
        %get3A_230 = arith.index_cast %mul3A_229 : i32 to index
        %get3A_231 = tpu.vector_load %arg7[%get3A_230] {strides = array<i32>} : memref<25600xi32, #tpu.memory_space<vmem>>, vector<16xi32>,
        %gather3A_232 = tpu.vector_load_idx %arg6[%get3A_231] : memref<20000xi32, #tpu.memory_space<vmem>>[vector<16xi32>], vector<16xi32>,
        %add3A_233 = vector.broadcast %mul3A_13 : i32 to vector<16xi32>
        %add3A_234 = arith.addi %gather3A_232, %add3A_233 : vector<16xi32>
        %swap3A_235 = arith.index_cast %mul3A_229 : i32 to index
        %swap3A_236 = tpu.vector_load %arg7[%swap3A_235] {strides = array<i32>} : memref<25600xi32, #tpu.memory_space<vmem>>, vector<16xi32>,
        tpu.vector_store %arg7[%swap3A_235], %add3A_234 {strides = array<i32>} : memref<25600xi32, #tpu.memory_space<vmem>>, vector<16xi32>,
        %add3A_237 = arith.constant 7 : i32
        %add3A_238 = arith.addi %mul3A_162, %add3A_237 : i32
        %mul3A_239 = arith.constant 16 : i32
        %mul3A_240 = arith.muli %add3A_238, %mul3A_239 : i32
        %get3A_241 = arith.index_cast %mul3A_240 : i32 to index
        %get3A_242 = tpu.vector_load %arg7[%get3A_241] {strides = array<i32>} : memref<25600xi32, #tpu.memory_space<vmem>>, vector<16xi32>,
        %gather3A_243 = tpu.vector_load_idx %arg6[%get3A_242] : memref<20000xi32, #tpu.memory_space<vmem>>[vector<16xi32>], vector<16xi32>,
        %add3A_244 = vector.broadcast %mul3A_13 : i32 to vector<16xi32>
        %add3A_245 = arith.addi %gather3A_243, %add3A_244 : vector<16xi32>
        %swap3A_246 = arith.index_cast %mul3A_240 : i32 to index
        %swap3A_247 = tpu.vector_load %arg7[%swap3A_246] {strides = array<i32>} : memref<25600xi32, #tpu.memory_space<vmem>>, vector<16xi32>,
        tpu.vector_store %arg7[%swap3A_246], %add3A_245 {strides = array<i32>} : memref<25600xi32, #tpu.memory_space<vmem>>, vector<16xi32>,
      }
    }
    %mul3A_24 = arith.constant 0 : i32
    %mul3A_25 = arith.constant 128 : i32
    %mul3A_26 = arith.muli %mul3A_24, %mul3A_25 : i32
    %dma_start3A = tpu.memref_slice %arg7[%mul3A_26] : memref<25600xi32, #tpu.memory_space<vmem>> -> memref<128xi32, #tpu.memory_space<vmem>>
    %dma_start3A_27 = arith.constant 0 : i32
    %dma_start3A_28 = arith.constant 0 : i32
    %dma_start3A_29 = tpu.memref_slice %arg4[%dma_start3A_27, %dma_start3A_28] : memref<32768x64xf32, #tpu.memory_space<hbm>> -> memref<32768x64xf32, #tpu.memory_space<hbm>>
    tpu.enqueue_indirect_dma source(%dma_start3A_29 : memref<32768x64xf32, #tpu.memory_space<hbm>>) target(%arg8 : memref<128x64xf32, #tpu.memory_space<vmem>>) offsets(%dma_start3A : memref<128xi32, #tpu.memory_space<vmem>>) semaphore(%arg16 : memref<!tpu.dma_semaphore, #tpu.memory_space<semaphore_mem>>)
    %mul3A_30 = arith.constant 1 : i32
    %mul3A_31 = arith.constant 128 : i32
    %mul3A_32 = arith.muli %mul3A_30, %mul3A_31 : i32
    %dma_start3A_33 = tpu.memref_slice %arg7[%mul3A_32] : memref<25600xi32, #tpu.memory_space<vmem>> -> memref<128xi32, #tpu.memory_space<vmem>>
    %dma_start3A_34 = arith.constant 0 : i32
    %dma_start3A_35 = arith.constant 0 : i32
    %dma_start3A_36 = tpu.memref_slice %arg4[%dma_start3A_34, %dma_start3A_35] : memref<32768x64xf32, #tpu.memory_space<hbm>> -> memref<32768x64xf32, #tpu.memory_space<hbm>>
    tpu.enqueue_indirect_dma source(%dma_start3A_36 : memref<32768x64xf32, #tpu.memory_space<hbm>>) target(%arg9 : memref<128x64xf32, #tpu.memory_space<vmem>>) offsets(%dma_start3A_33 : memref<128xi32, #tpu.memory_space<vmem>>) semaphore(%arg17 : memref<!tpu.dma_semaphore, #tpu.memory_space<semaphore_mem>>)
    %mul3A_37 = arith.constant 2 : i32
    %mul3A_38 = arith.constant 128 : i32
    %mul3A_39 = arith.muli %mul3A_37, %mul3A_38 : i32
    %dma_start3A_40 = tpu.memref_slice %arg7[%mul3A_39] : memref<25600xi32, #tpu.memory_space<vmem>> -> memref<128xi32, #tpu.memory_space<vmem>>
    %dma_start3A_41 = arith.constant 0 : i32
    %dma_start3A_42 = arith.constant 0 : i32
    %dma_start3A_43 = tpu.memref_slice %arg4[%dma_start3A_41, %dma_start3A_42] : memref<32768x64xf32, #tpu.memory_space<hbm>> -> memref<32768x64xf32, #tpu.memory_space<hbm>>
    tpu.enqueue_indirect_dma source(%dma_start3A_43 : memref<32768x64xf32, #tpu.memory_space<hbm>>) target(%arg10 : memref<128x64xf32, #tpu.memory_space<vmem>>) offsets(%dma_start3A_40 : memref<128xi32, #tpu.memory_space<vmem>>) semaphore(%arg18 : memref<!tpu.dma_semaphore, #tpu.memory_space<semaphore_mem>>)
    %mul3A_44 = arith.constant 3 : i32
    %mul3A_45 = arith.constant 128 : i32
    %mul3A_46 = arith.muli %mul3A_44, %mul3A_45 : i32
    %dma_start3A_47 = tpu.memref_slice %arg7[%mul3A_46] : memref<25600xi32, #tpu.memory_space<vmem>> -> memref<128xi32, #tpu.memory_space<vmem>>
    %dma_start3A_48 = arith.constant 0 : i32
    %dma_start3A_49 = arith.constant 0 : i32
    %dma_start3A_50 = tpu.memref_slice %arg4[%dma_start3A_48, %dma_start3A_49] : memref<32768x64xf32, #tpu.memory_space<hbm>> -> memref<32768x64xf32, #tpu.memory_space<hbm>>
    tpu.enqueue_indirect_dma source(%dma_start3A_50 : memref<32768x64xf32, #tpu.memory_space<hbm>>) target(%arg11 : memref<128x64xf32, #tpu.memory_space<vmem>>) offsets(%dma_start3A_47 : memref<128xi32, #tpu.memory_space<vmem>>) semaphore(%arg19 : memref<!tpu.dma_semaphore, #tpu.memory_space<semaphore_mem>>)
    %mul3A_51 = arith.constant 4 : i32
    %mul3A_52 = arith.constant 128 : i32
    %mul3A_53 = arith.muli %mul3A_51, %mul3A_52 : i32
    %dma_start3A_54 = tpu.memref_slice %arg7[%mul3A_53] : memref<25600xi32, #tpu.memory_space<vmem>> -> memref<128xi32, #tpu.memory_space<vmem>>
    %dma_start3A_55 = arith.constant 0 : i32
    %dma_start3A_56 = arith.constant 0 : i32
    %dma_start3A_57 = tpu.memref_slice %arg4[%dma_start3A_55, %dma_start3A_56] : memref<32768x64xf32, #tpu.memory_space<hbm>> -> memref<32768x64xf32, #tpu.memory_space<hbm>>
    tpu.enqueue_indirect_dma source(%dma_start3A_57 : memref<32768x64xf32, #tpu.memory_space<hbm>>) target(%arg12 : memref<128x64xf32, #tpu.memory_space<vmem>>) offsets(%dma_start3A_54 : memref<128xi32, #tpu.memory_space<vmem>>) semaphore(%arg20 : memref<!tpu.dma_semaphore, #tpu.memory_space<semaphore_mem>>)
    %mul3A_58 = arith.constant 5 : i32
    %mul3A_59 = arith.constant 128 : i32
    %mul3A_60 = arith.muli %mul3A_58, %mul3A_59 : i32
    %dma_start3A_61 = tpu.memref_slice %arg7[%mul3A_60] : memref<25600xi32, #tpu.memory_space<vmem>> -> memref<128xi32, #tpu.memory_space<vmem>>
    %dma_start3A_62 = arith.constant 0 : i32
    %dma_start3A_63 = arith.constant 0 : i32
    %dma_start3A_64 = tpu.memref_slice %arg4[%dma_start3A_62, %dma_start3A_63] : memref<32768x64xf32, #tpu.memory_space<hbm>> -> memref<32768x64xf32, #tpu.memory_space<hbm>>
    tpu.enqueue_indirect_dma source(%dma_start3A_64 : memref<32768x64xf32, #tpu.memory_space<hbm>>) target(%arg13 : memref<128x64xf32, #tpu.memory_space<vmem>>) offsets(%dma_start3A_61 : memref<128xi32, #tpu.memory_space<vmem>>) semaphore(%arg21 : memref<!tpu.dma_semaphore, #tpu.memory_space<semaphore_mem>>)
    %mul3A_65 = arith.constant 6 : i32
    %mul3A_66 = arith.constant 128 : i32
    %mul3A_67 = arith.muli %mul3A_65, %mul3A_66 : i32
    %dma_start3A_68 = tpu.memref_slice %arg7[%mul3A_67] : memref<25600xi32, #tpu.memory_space<vmem>> -> memref<128xi32, #tpu.memory_space<vmem>>
    %dma_start3A_69 = arith.constant 0 : i32
    %dma_start3A_70 = arith.constant 0 : i32
    %dma_start3A_71 = tpu.memref_slice %arg4[%dma_start3A_69, %dma_start3A_70] : memref<32768x64xf32, #tpu.memory_space<hbm>> -> memref<32768x64xf32, #tpu.memory_space<hbm>>
    tpu.enqueue_indirect_dma source(%dma_start3A_71 : memref<32768x64xf32, #tpu.memory_space<hbm>>) target(%arg14 : memref<128x64xf32, #tpu.memory_space<vmem>>) offsets(%dma_start3A_68 : memref<128xi32, #tpu.memory_space<vmem>>) semaphore(%arg22 : memref<!tpu.dma_semaphore, #tpu.memory_space<semaphore_mem>>)
    %mul3A_72 = arith.constant 7 : i32
    %mul3A_73 = arith.constant 128 : i32
    %mul3A_74 = arith.muli %mul3A_72, %mul3A_73 : i32
    %dma_start3A_75 = tpu.memref_slice %arg7[%mul3A_74] : memref<25600xi32, #tpu.memory_space<vmem>> -> memref<128xi32, #tpu.memory_space<vmem>>
    %dma_start3A_76 = arith.constant 0 : i32
    %dma_start3A_77 = arith.constant 0 : i32
    %dma_start3A_78 = tpu.memref_slice %arg4[%dma_start3A_76, %dma_start3A_77] : memref<32768x64xf32, #tpu.memory_space<hbm>> -> memref<32768x64xf32, #tpu.memory_space<hbm>>
    tpu.enqueue_indirect_dma source(%dma_start3A_78 : memref<32768x64xf32, #tpu.memory_space<hbm>>) target(%arg15 : memref<128x64xf32, #tpu.memory_space<vmem>>) offsets(%dma_start3A_75 : memref<128xi32, #tpu.memory_space<vmem>>) semaphore(%arg23 : memref<!tpu.dma_semaphore, #tpu.memory_space<semaphore_mem>>)
    %while3A_79 = arith.constant 0 : i32
    %while3A_80 = arith.constant 0 : i32
    %while3A_81 = arith.constant 25 : i32
    %while3A_82 = arith.subi %while3A_81, %while3A_80 : i32
    %while3A_83 = arith.addi %while3A_80, %while3A_82 : i32
    %while3A_84 = arith.constant 1 : i32
    %while3A_85 = arith.divsi %while3A_82, %while3A_84 : i32
    %while3A_86 = arith.muli %while3A_85, %while3A_84 : i32
    %while3A_87 = arith.addi %while3A_80, %while3A_86 : i32
    %while3A_88 = arith.constant 1 : i32
    scf.for %while3A_145 = %while3A_80 to %while3A_87 step %while3A_88  : i32 {
      %add3A_146 = arith.constant 2 : i32
      %add3A_147 = arith.addi %while3A_145, %add3A_146 : i32
      %lt3A_148 = arith.constant 25 : i32
      %lt3A_149 = arith.cmpi slt, %add3A_147, %lt3A_148 : i32
      %convert_element_type3A = arith.extui %lt3A_149 : i1 to i32
      %cond3A = arith.constant 0 : i32
      %cond3A_150 = arith.cmpi ne, %convert_element_type3A, %cond3A : i32
      scf.if %cond3A_150 {
        %add3A_438 = arith.constant 2 : i32
        %add3A_439 = arith.addi %while3A_145, %add3A_438 : i32
        %mul3A_440 = arith.constant 8 : i32
        %mul3A_441 = arith.muli %add3A_439, %mul3A_440 : i32
        %add3A_442 = arith.constant 1 : i32
        %add3A_443 = arith.addi %add3A_439, %add3A_442 : i32
        %mul3A_444 = arith.constant 8 : i32
        %mul3A_445 = arith.muli %add3A_443, %mul3A_444 : i32
        %while3A_446 = arith.constant 0 : i32
        %while3A_447 = arith.subi %mul3A_445, %mul3A_441 : i32
        %while3A_448 = arith.addi %mul3A_441, %while3A_447 : i32
        %while3A_449 = arith.constant 1 : i32
        %while3A_450 = arith.divsi %while3A_447, %while3A_449 : i32
        %while3A_451 = arith.muli %while3A_450, %while3A_449 : i32
        %while3A_452 = arith.addi %mul3A_441, %while3A_451 : i32
        %while3A_453 = arith.constant 1 : i32
        scf.for %while3A_455 = %mul3A_441 to %while3A_452 step %while3A_453  : i32 {
          %mul3A_456 = arith.constant 8 : i32
          %mul3A_457 = arith.muli %while3A_455, %mul3A_456 : i32
          %add3A_458 = arith.constant 0 : i32
          %add3A_459 = arith.addi %mul3A_457, %add3A_458 : i32
          %mul3A_460 = arith.constant 16 : i32
          %mul3A_461 = arith.muli %add3A_459, %mul3A_460 : i32
          %get3A = arith.index_cast %mul3A_461 : i32 to index
          %get3A_462 = tpu.vector_load %arg7[%get3A] {strides = array<i32>} : memref<25600xi32, #tpu.memory_space<vmem>>, vector<16xi32>,
          %gather3A = tpu.vector_load_idx %arg6[%get3A_462] : memref<20000xi32, #tpu.memory_space<vmem>>[vector<16xi32>], vector<16xi32>,
          %add3A_463 = vector.broadcast %mul3A_13 : i32 to vector<16xi32>
          %add3A_464 = arith.addi %gather3A, %add3A_463 : vector<16xi32>
          %swap3A = arith.index_cast %mul3A_461 : i32 to index
          %swap3A_465 = tpu.vector_load %arg7[%swap3A] {strides = array<i32>} : memref<25600xi32, #tpu.memory_space<vmem>>, vector<16xi32>,
          tpu.vector_store %arg7[%swap3A], %add3A_464 {strides = array<i32>} : memref<25600xi32, #tpu.memory_space<vmem>>, vector<16xi32>,
          %add3A_466 = arith.constant 1 : i32
          %add3A_467 = arith.addi %mul3A_457, %add3A_466 : i32
          %mul3A_468 = arith.constant 16 : i32
          %mul3A_469 = arith.muli %add3A_467, %mul3A_468 : i32
          %get3A_470 = arith.index_cast %mul3A_469 : i32 to index
          %get3A_471 = tpu.vector_load %arg7[%get3A_470] {strides = array<i32>} : memref<25600xi32, #tpu.memory_space<vmem>>, vector<16xi32>,
          %gather3A_472 = tpu.vector_load_idx %arg6[%get3A_471] : memref<20000xi32, #tpu.memory_space<vmem>>[vector<16xi32>], vector<16xi32>,
          %add3A_473 = vector.broadcast %mul3A_13 : i32 to vector<16xi32>
          %add3A_474 = arith.addi %gather3A_472, %add3A_473 : vector<16xi32>
          %swap3A_475 = arith.index_cast %mul3A_469 : i32 to index
          %swap3A_476 = tpu.vector_load %arg7[%swap3A_475] {strides = array<i32>} : memref<25600xi32, #tpu.memory_space<vmem>>, vector<16xi32>,
          tpu.vector_store %arg7[%swap3A_475], %add3A_474 {strides = array<i32>} : memref<25600xi32, #tpu.memory_space<vmem>>, vector<16xi32>,
          %add3A_477 = arith.constant 2 : i32
          %add3A_478 = arith.addi %mul3A_457, %add3A_477 : i32
          %mul3A_479 = arith.constant 16 : i32
          %mul3A_480 = arith.muli %add3A_478, %mul3A_479 : i32
          %get3A_481 = arith.index_cast %mul3A_480 : i32 to index
          %get3A_482 = tpu.vector_load %arg7[%get3A_481] {strides = array<i32>} : memref<25600xi32, #tpu.memory_space<vmem>>, vector<16xi32>,
          %gather3A_483 = tpu.vector_load_idx %arg6[%get3A_482] : memref<20000xi32, #tpu.memory_space<vmem>>[vector<16xi32>], vector<16xi32>,
          %add3A_484 = vector.broadcast %mul3A_13 : i32 to vector<16xi32>
          %add3A_485 = arith.addi %gather3A_483, %add3A_484 : vector<16xi32>
          %swap3A_486 = arith.index_cast %mul3A_480 : i32 to index
          %swap3A_487 = tpu.vector_load %arg7[%swap3A_486] {strides = array<i32>} : memref<25600xi32, #tpu.memory_space<vmem>>, vector<16xi32>,
          tpu.vector_store %arg7[%swap3A_486], %add3A_485 {strides = array<i32>} : memref<25600xi32, #tpu.memory_space<vmem>>, vector<16xi32>,
          %add3A_488 = arith.constant 3 : i32
          %add3A_489 = arith.addi %mul3A_457, %add3A_488 : i32
          %mul3A_490 = arith.constant 16 : i32
          %mul3A_491 = arith.muli %add3A_489, %mul3A_490 : i32
          %get3A_492 = arith.index_cast %mul3A_491 : i32 to index
          %get3A_493 = tpu.vector_load %arg7[%get3A_492] {strides = array<i32>} : memref<25600xi32, #tpu.memory_space<vmem>>, vector<16xi32>,
          %gather3A_494 = tpu.vector_load_idx %arg6[%get3A_493] : memref<20000xi32, #tpu.memory_space<vmem>>[vector<16xi32>], vector<16xi32>,
          %add3A_495 = vector.broadcast %mul3A_13 : i32 to vector<16xi32>
          %add3A_496 = arith.addi %gather3A_494, %add3A_495 : vector<16xi32>
          %swap3A_497 = arith.index_cast %mul3A_491 : i32 to index
          %swap3A_498 = tpu.vector_load %arg7[%swap3A_497] {strides = array<i32>} : memref<25600xi32, #tpu.memory_space<vmem>>, vector<16xi32>,
          tpu.vector_store %arg7[%swap3A_497], %add3A_496 {strides = array<i32>} : memref<25600xi32, #tpu.memory_space<vmem>>, vector<16xi32>,
          %add3A_499 = arith.constant 4 : i32
          %add3A_500 = arith.addi %mul3A_457, %add3A_499 : i32
          %mul3A_501 = arith.constant 16 : i32
          %mul3A_502 = arith.muli %add3A_500, %mul3A_501 : i32
          %get3A_503 = arith.index_cast %mul3A_502 : i32 to index
          %get3A_504 = tpu.vector_load %arg7[%get3A_503] {strides = array<i32>} : memref<25600xi32, #tpu.memory_space<vmem>>, vector<16xi32>,
          %gather3A_505 = tpu.vector_load_idx %arg6[%get3A_504] : memref<20000xi32, #tpu.memory_space<vmem>>[vector<16xi32>], vector<16xi32>,
          %add3A_506 = vector.broadcast %mul3A_13 : i32 to vector<16xi32>
          %add3A_507 = arith.addi %gather3A_505, %add3A_506 : vector<16xi32>
          %swap3A_508 = arith.index_cast %mul3A_502 : i32 to index
          %swap3A_509 = tpu.vector_load %arg7[%swap3A_508] {strides = array<i32>} : memref<25600xi32, #tpu.memory_space<vmem>>, vector<16xi32>,
          tpu.vector_store %arg7[%swap3A_508], %add3A_507 {strides = array<i32>} : memref<25600xi32, #tpu.memory_space<vmem>>, vector<16xi32>,
          %add3A_510 = arith.constant 5 : i32
          %add3A_511 = arith.addi %mul3A_457, %add3A_510 : i32
          %mul3A_512 = arith.constant 16 : i32
          %mul3A_513 = arith.muli %add3A_511, %mul3A_512 : i32
          %get3A_514 = arith.index_cast %mul3A_513 : i32 to index
          %get3A_515 = tpu.vector_load %arg7[%get3A_514] {strides = array<i32>} : memref<25600xi32, #tpu.memory_space<vmem>>, vector<16xi32>,
          %gather3A_516 = tpu.vector_load_idx %arg6[%get3A_515] : memref<20000xi32, #tpu.memory_space<vmem>>[vector<16xi32>], vector<16xi32>,
          %add3A_517 = vector.broadcast %mul3A_13 : i32 to vector<16xi32>
          %add3A_518 = arith.addi %gather3A_516, %add3A_517 : vector<16xi32>
          %swap3A_519 = arith.index_cast %mul3A_513 : i32 to index
          %swap3A_520 = tpu.vector_load %arg7[%swap3A_519] {strides = array<i32>} : memref<25600xi32, #tpu.memory_space<vmem>>, vector<16xi32>,
          tpu.vector_store %arg7[%swap3A_519], %add3A_518 {strides = array<i32>} : memref<25600xi32, #tpu.memory_space<vmem>>, vector<16xi32>,
          %add3A_521 = arith.constant 6 : i32
          %add3A_522 = arith.addi %mul3A_457, %add3A_521 : i32
          %mul3A_523 = arith.constant 16 : i32
          %mul3A_524 = arith.muli %add3A_522, %mul3A_523 : i32
          %get3A_525 = arith.index_cast %mul3A_524 : i32 to index
          %get3A_526 = tpu.vector_load %arg7[%get3A_525] {strides = array<i32>} : memref<25600xi32, #tpu.memory_space<vmem>>, vector<16xi32>,
          %gather3A_527 = tpu.vector_load_idx %arg6[%get3A_526] : memref<20000xi32, #tpu.memory_space<vmem>>[vector<16xi32>], vector<16xi32>,
          %add3A_528 = vector.broadcast %mul3A_13 : i32 to vector<16xi32>
          %add3A_529 = arith.addi %gather3A_527, %add3A_528 : vector<16xi32>
          %swap3A_530 = arith.index_cast %mul3A_524 : i32 to index
          %swap3A_531 = tpu.vector_load %arg7[%swap3A_530] {strides = array<i32>} : memref<25600xi32, #tpu.memory_space<vmem>>, vector<16xi32>,
          tpu.vector_store %arg7[%swap3A_530], %add3A_529 {strides = array<i32>} : memref<25600xi32, #tpu.memory_space<vmem>>, vector<16xi32>,
          %add3A_532 = arith.constant 7 : i32
          %add3A_533 = arith.addi %mul3A_457, %add3A_532 : i32
          %mul3A_534 = arith.constant 16 : i32
          %mul3A_535 = arith.muli %add3A_533, %mul3A_534 : i32
          %get3A_536 = arith.index_cast %mul3A_535 : i32 to index
          %get3A_537 = tpu.vector_load %arg7[%get3A_536] {strides = array<i32>} : memref<25600xi32, #tpu.memory_space<vmem>>, vector<16xi32>,
          %gather3A_538 = tpu.vector_load_idx %arg6[%get3A_537] : memref<20000xi32, #tpu.memory_space<vmem>>[vector<16xi32>], vector<16xi32>,
          %add3A_539 = vector.broadcast %mul3A_13 : i32 to vector<16xi32>
          %add3A_540 = arith.addi %gather3A_538, %add3A_539 : vector<16xi32>
          %swap3A_541 = arith.index_cast %mul3A_535 : i32 to index
          %swap3A_542 = tpu.vector_load %arg7[%swap3A_541] {strides = array<i32>} : memref<25600xi32, #tpu.memory_space<vmem>>, vector<16xi32>,
          tpu.vector_store %arg7[%swap3A_541], %add3A_540 {strides = array<i32>} : memref<25600xi32, #tpu.memory_space<vmem>>, vector<16xi32>,
        }
        %while3A_454 = arith.constant 1 : i32
        scf.for %while3A_455 = %while3A_452 to %while3A_448 step %while3A_454  : i32 {
          %mul3A_456 = arith.constant 8 : i32
          %mul3A_457 = arith.muli %while3A_455, %mul3A_456 : i32
          %add3A_458 = arith.constant 0 : i32
          %add3A_459 = arith.addi %mul3A_457, %add3A_458 : i32
          %mul3A_460 = arith.constant 16 : i32
          %mul3A_461 = arith.muli %add3A_459, %mul3A_460 : i32
          %get3A = arith.index_cast %mul3A_461 : i32 to index
          %get3A_462 = tpu.vector_load %arg7[%get3A] {strides = array<i32>} : memref<25600xi32, #tpu.memory_space<vmem>>, vector<16xi32>,
          %gather3A = tpu.vector_load_idx %arg6[%get3A_462] : memref<20000xi32, #tpu.memory_space<vmem>>[vector<16xi32>], vector<16xi32>,
          %add3A_463 = vector.broadcast %mul3A_13 : i32 to vector<16xi32>
          %add3A_464 = arith.addi %gather3A, %add3A_463 : vector<16xi32>
          %swap3A = arith.index_cast %mul3A_461 : i32 to index
          %swap3A_465 = tpu.vector_load %arg7[%swap3A] {strides = array<i32>} : memref<25600xi32, #tpu.memory_space<vmem>>, vector<16xi32>,
          tpu.vector_store %arg7[%swap3A], %add3A_464 {strides = array<i32>} : memref<25600xi32, #tpu.memory_space<vmem>>, vector<16xi32>,
          %add3A_466 = arith.constant 1 : i32
          %add3A_467 = arith.addi %mul3A_457, %add3A_466 : i32
          %mul3A_468 = arith.constant 16 : i32
          %mul3A_469 = arith.muli %add3A_467, %mul3A_468 : i32
          %get3A_470 = arith.index_cast %mul3A_469 : i32 to index
          %get3A_471 = tpu.vector_load %arg7[%get3A_470] {strides = array<i32>} : memref<25600xi32, #tpu.memory_space<vmem>>, vector<16xi32>,
          %gather3A_472 = tpu.vector_load_idx %arg6[%get3A_471] : memref<20000xi32, #tpu.memory_space<vmem>>[vector<16xi32>], vector<16xi32>,
          %add3A_473 = vector.broadcast %mul3A_13 : i32 to vector<16xi32>
          %add3A_474 = arith.addi %gather3A_472, %add3A_473 : vector<16xi32>
          %swap3A_475 = arith.index_cast %mul3A_469 : i32 to index
          %swap3A_476 = tpu.vector_load %arg7[%swap3A_475] {strides = array<i32>} : memref<25600xi32, #tpu.memory_space<vmem>>, vector<16xi32>,
          tpu.vector_store %arg7[%swap3A_475], %add3A_474 {strides = array<i32>} : memref<25600xi32, #tpu.memory_space<vmem>>, vector<16xi32>,
          %add3A_477 = arith.constant 2 : i32
          %add3A_478 = arith.addi %mul3A_457, %add3A_477 : i32
          %mul3A_479 = arith.constant 16 : i32
          %mul3A_480 = arith.muli %add3A_478, %mul3A_479 : i32
          %get3A_481 = arith.index_cast %mul3A_480 : i32 to index
          %get3A_482 = tpu.vector_load %arg7[%get3A_481] {strides = array<i32>} : memref<25600xi32, #tpu.memory_space<vmem>>, vector<16xi32>,
          %gather3A_483 = tpu.vector_load_idx %arg6[%get3A_482] : memref<20000xi32, #tpu.memory_space<vmem>>[vector<16xi32>], vector<16xi32>,
          %add3A_484 = vector.broadcast %mul3A_13 : i32 to vector<16xi32>
          %add3A_485 = arith.addi %gather3A_483, %add3A_484 : vector<16xi32>
          %swap3A_486 = arith.index_cast %mul3A_480 : i32 to index
          %swap3A_487 = tpu.vector_load %arg7[%swap3A_486] {strides = array<i32>} : memref<25600xi32, #tpu.memory_space<vmem>>, vector<16xi32>,
          tpu.vector_store %arg7[%swap3A_486], %add3A_485 {strides = array<i32>} : memref<25600xi32, #tpu.memory_space<vmem>>, vector<16xi32>,
          %add3A_488 = arith.constant 3 : i32
          %add3A_489 = arith.addi %mul3A_457, %add3A_488 : i32
          %mul3A_490 = arith.constant 16 : i32
          %mul3A_491 = arith.muli %add3A_489, %mul3A_490 : i32
          %get3A_492 = arith.index_cast %mul3A_491 : i32 to index
          %get3A_493 = tpu.vector_load %arg7[%get3A_492] {strides = array<i32>} : memref<25600xi32, #tpu.memory_space<vmem>>, vector<16xi32>,
          %gather3A_494 = tpu.vector_load_idx %arg6[%get3A_493] : memref<20000xi32, #tpu.memory_space<vmem>>[vector<16xi32>], vector<16xi32>,
          %add3A_495 = vector.broadcast %mul3A_13 : i32 to vector<16xi32>
          %add3A_496 = arith.addi %gather3A_494, %add3A_495 : vector<16xi32>
          %swap3A_497 = arith.index_cast %mul3A_491 : i32 to index
          %swap3A_498 = tpu.vector_load %arg7[%swap3A_497] {strides = array<i32>} : memref<25600xi32, #tpu.memory_space<vmem>>, vector<16xi32>,
          tpu.vector_store %arg7[%swap3A_497], %add3A_496 {strides = array<i32>} : memref<25600xi32, #tpu.memory_space<vmem>>, vector<16xi32>,
          %add3A_499 = arith.constant 4 : i32
          %add3A_500 = arith.addi %mul3A_457, %add3A_499 : i32
          %mul3A_501 = arith.constant 16 : i32
          %mul3A_502 = arith.muli %add3A_500, %mul3A_501 : i32
          %get3A_503 = arith.index_cast %mul3A_502 : i32 to index
          %get3A_504 = tpu.vector_load %arg7[%get3A_503] {strides = array<i32>} : memref<25600xi32, #tpu.memory_space<vmem>>, vector<16xi32>,
          %gather3A_505 = tpu.vector_load_idx %arg6[%get3A_504] : memref<20000xi32, #tpu.memory_space<vmem>>[vector<16xi32>], vector<16xi32>,
          %add3A_506 = vector.broadcast %mul3A_13 : i32 to vector<16xi32>
          %add3A_507 = arith.addi %gather3A_505, %add3A_506 : vector<16xi32>
          %swap3A_508 = arith.index_cast %mul3A_502 : i32 to index
          %swap3A_509 = tpu.vector_load %arg7[%swap3A_508] {strides = array<i32>} : memref<25600xi32, #tpu.memory_space<vmem>>, vector<16xi32>,
          tpu.vector_store %arg7[%swap3A_508], %add3A_507 {strides = array<i32>} : memref<25600xi32, #tpu.memory_space<vmem>>, vector<16xi32>,
          %add3A_510 = arith.constant 5 : i32
          %add3A_511 = arith.addi %mul3A_457, %add3A_510 : i32
          %mul3A_512 = arith.constant 16 : i32
          %mul3A_513 = arith.muli %add3A_511, %mul3A_512 : i32
          %get3A_514 = arith.index_cast %mul3A_513 : i32 to index
          %get3A_515 = tpu.vector_load %arg7[%get3A_514] {strides = array<i32>} : memref<25600xi32, #tpu.memory_space<vmem>>, vector<16xi32>,
          %gather3A_516 = tpu.vector_load_idx %arg6[%get3A_515] : memref<20000xi32, #tpu.memory_space<vmem>>[vector<16xi32>], vector<16xi32>,
          %add3A_517 = vector.broadcast %mul3A_13 : i32 to vector<16xi32>
          %add3A_518 = arith.addi %gather3A_516, %add3A_517 : vector<16xi32>
          %swap3A_519 = arith.index_cast %mul3A_513 : i32 to index
          %swap3A_520 = tpu.vector_load %arg7[%swap3A_519] {strides = array<i32>} : memref<25600xi32, #tpu.memory_space<vmem>>, vector<16xi32>,
          tpu.vector_store %arg7[%swap3A_519], %add3A_518 {strides = array<i32>} : memref<25600xi32, #tpu.memory_space<vmem>>, vector<16xi32>,
          %add3A_521 = arith.constant 6 : i32
          %add3A_522 = arith.addi %mul3A_457, %add3A_521 : i32
          %mul3A_523 = arith.constant 16 : i32
          %mul3A_524 = arith.muli %add3A_522, %mul3A_523 : i32
          %get3A_525 = arith.index_cast %mul3A_524 : i32 to index
          %get3A_526 = tpu.vector_load %arg7[%get3A_525] {strides = array<i32>} : memref<25600xi32, #tpu.memory_space<vmem>>, vector<16xi32>,
          %gather3A_527 = tpu.vector_load_idx %arg6[%get3A_526] : memref<20000xi32, #tpu.memory_space<vmem>>[vector<16xi32>], vector<16xi32>,
          %add3A_528 = vector.broadcast %mul3A_13 : i32 to vector<16xi32>
          %add3A_529 = arith.addi %gather3A_527, %add3A_528 : vector<16xi32>
          %swap3A_530 = arith.index_cast %mul3A_524 : i32 to index
          %swap3A_531 = tpu.vector_load %arg7[%swap3A_530] {strides = array<i32>} : memref<25600xi32, #tpu.memory_space<vmem>>, vector<16xi32>,
          tpu.vector_store %arg7[%swap3A_530], %add3A_529 {strides = array<i32>} : memref<25600xi32, #tpu.memory_space<vmem>>, vector<16xi32>,
          %add3A_532 = arith.constant 7 : i32
          %add3A_533 = arith.addi %mul3A_457, %add3A_532 : i32
          %mul3A_534 = arith.constant 16 : i32
          %mul3A_535 = arith.muli %add3A_533, %mul3A_534 : i32
          %get3A_536 = arith.index_cast %mul3A_535 : i32 to index
          %get3A_537 = tpu.vector_load %arg7[%get3A_536] {strides = array<i32>} : memref<25600xi32, #tpu.memory_space<vmem>>, vector<16xi32>,
          %gather3A_538 = tpu.vector_load_idx %arg6[%get3A_537] : memref<20000xi32, #tpu.memory_space<vmem>>[vector<16xi32>], vector<16xi32>,
          %add3A_539 = vector.broadcast %mul3A_13 : i32 to vector<16xi32>
          %add3A_540 = arith.addi %gather3A_538, %add3A_539 : vector<16xi32>
          %swap3A_541 = arith.index_cast %mul3A_535 : i32 to index
          %swap3A_542 = tpu.vector_load %arg7[%swap3A_541] {strides = array<i32>} : memref<25600xi32, #tpu.memory_space<vmem>>, vector<16xi32>,
          tpu.vector_store %arg7[%swap3A_541], %add3A_540 {strides = array<i32>} : memref<25600xi32, #tpu.memory_space<vmem>>, vector<16xi32>,
        }
      } else {
      }
      %mul3A_151 = arith.constant 8 : i32
      %mul3A_152 = arith.muli %while3A_145, %mul3A_151 : i32
      %add3A_153 = arith.constant 0 : i32
      %add3A_154 = arith.addi %mul3A_152, %add3A_153 : i32
      %mul3A_155 = arith.constant 0 : i32
      %mul3A_156 = arith.constant 128 : i32
      %mul3A_157 = arith.muli %mul3A_155, %mul3A_156 : i32
      %dma_wait3A_158 = tpu.memref_slice %arg7[%mul3A_157] : memref<25600xi32, #tpu.memory_space<vmem>> -> memref<128xi32, #tpu.memory_space<vmem>>
      %dma_wait3A_159 = arith.constant 0 : i32
      %dma_wait3A_160 = arith.constant 0 : i32
      %dma_wait3A_161 = tpu.memref_slice %arg4[%dma_wait3A_159, %dma_wait3A_160] : memref<32768x64xf32, #tpu.memory_space<hbm>> -> memref<32768x64xf32, #tpu.memory_space<hbm>>
      tpu.wait_indirect_dma semaphore(%arg16 : memref<!tpu.dma_semaphore, #tpu.memory_space<semaphore_mem>>) src(%dma_wait3A_161 : memref<32768x64xf32, #tpu.memory_space<hbm>>) dst(%arg8 : memref<128x64xf32, #tpu.memory_space<vmem>>)
      %mul3A_162 = arith.constant 128 : i32
      %mul3A_163 = arith.muli %add3A_154, %mul3A_162 : i32
      %add3A_164 = arith.addi %mul3A_2, %mul3A_163 : i32
      %dma_start3A_165 = arith.constant 0 : i32
      %dma_start3A_166 = tpu.memref_slice %arg5[%add3A_164, %dma_start3A_165] : memref<819200x128xf32, #tpu.memory_space<hbm>> -> memref<128x64xf32, #tpu.memory_space<hbm>>
      %dma_start3A_167 = arith.constant 0 : i32
      %dma_start3A_168 = tpu.memref_slice %arg5[%add3A_164, %dma_start3A_167] : memref<819200x128xf32, #tpu.memory_space<hbm>> -> memref<128x64xf32, #tpu.memory_space<hbm>>
      tpu.enqueue_dma source(%arg8 : memref<128x64xf32, #tpu.memory_space<vmem>>) target(%dma_start3A_168 : memref<128x64xf32, #tpu.memory_space<hbm>>) target_semaphore(%arg24 : memref<!tpu.dma_semaphore, #tpu.memory_space<semaphore_mem>>)
      %mul3A_169 = arith.constant 8 : i32
      %mul3A_170 = arith.muli %while3A_145, %mul3A_169 : i32
      %add3A_171 = arith.constant 1 : i32
      %add3A_172 = arith.addi %mul3A_170, %add3A_171 : i32
      %mul3A_173 = arith.constant 0 : i32
      %mul3A_174 = arith.constant 128 : i32
      %mul3A_175 = arith.muli %mul3A_173, %mul3A_174 : i32
      %dma_wait3A_176 = tpu.memref_slice %arg7[%mul3A_175] : memref<25600xi32, #tpu.memory_space<vmem>> -> memref<128xi32, #tpu.memory_space<vmem>>
      %dma_wait3A_177 = arith.constant 0 : i32
      %dma_wait3A_178 = arith.constant 0 : i32
      %dma_wait3A_179 = tpu.memref_slice %arg4[%dma_wait3A_177, %dma_wait3A_178] : memref<32768x64xf32, #tpu.memory_space<hbm>> -> memref<32768x64xf32, #tpu.memory_space<hbm>>
      tpu.wait_indirect_dma semaphore(%arg17 : memref<!tpu.dma_semaphore, #tpu.memory_space<semaphore_mem>>) src(%dma_wait3A_179 : memref<32768x64xf32, #tpu.memory_space<hbm>>) dst(%arg9 : memref<128x64xf32, #tpu.memory_space<vmem>>)
      %mul3A_180 = arith.constant 128 : i32
      %mul3A_181 = arith.muli %add3A_172, %mul3A_180 : i32
      %add3A_182 = arith.addi %mul3A_2, %mul3A_181 : i32
      %dma_start3A_183 = arith.constant 0 : i32
      %dma_start3A_184 = tpu.memref_slice %arg5[%add3A_182, %dma_start3A_183] : memref<819200x128xf32, #tpu.memory_space<hbm>> -> memref<128x64xf32, #tpu.memory_space<hbm>>
      %dma_start3A_185 = arith.constant 0 : i32
      %dma_start3A_186 = tpu.memref_slice %arg5[%add3A_182, %dma_start3A_185] : memref<819200x128xf32, #tpu.memory_space<hbm>> -> memref<128x64xf32, #tpu.memory_space<hbm>>
      tpu.enqueue_dma source(%arg9 : memref<128x64xf32, #tpu.memory_space<vmem>>) target(%dma_start3A_186 : memref<128x64xf32, #tpu.memory_space<hbm>>) target_semaphore(%arg25 : memref<!tpu.dma_semaphore, #tpu.memory_space<semaphore_mem>>)
      %mul3A_187 = arith.constant 8 : i32
      %mul3A_188 = arith.muli %while3A_145, %mul3A_187 : i32
      %add3A_189 = arith.constant 2 : i32
      %add3A_190 = arith.addi %mul3A_188, %add3A_189 : i32
      %mul3A_191 = arith.constant 0 : i32
      %mul3A_192 = arith.constant 128 : i32
      %mul3A_193 = arith.muli %mul3A_191, %mul3A_192 : i32
      %dma_wait3A_194 = tpu.memref_slice %arg7[%mul3A_193] : memref<25600xi32, #tpu.memory_space<vmem>> -> memref<128xi32, #tpu.memory_space<vmem>>
      %dma_wait3A_195 = arith.constant 0 : i32
      %dma_wait3A_196 = arith.constant 0 : i32
      %dma_wait3A_197 = tpu.memref_slice %arg4[%dma_wait3A_195, %dma_wait3A_196] : memref<32768x64xf32, #tpu.memory_space<hbm>> -> memref<32768x64xf32, #tpu.memory_space<hbm>>
      tpu.wait_indirect_dma semaphore(%arg18 : memref<!tpu.dma_semaphore, #tpu.memory_space<semaphore_mem>>) src(%dma_wait3A_197 : memref<32768x64xf32, #tpu.memory_space<hbm>>) dst(%arg10 : memref<128x64xf32, #tpu.memory_space<vmem>>)
      %mul3A_198 = arith.constant 128 : i32
      %mul3A_199 = arith.muli %add3A_190, %mul3A_198 : i32
      %add3A_200 = arith.addi %mul3A_2, %mul3A_199 : i32
      %dma_start3A_201 = arith.constant 0 : i32
      %dma_start3A_202 = tpu.memref_slice %arg5[%add3A_200, %dma_start3A_201] : memref<819200x128xf32, #tpu.memory_space<hbm>> -> memref<128x64xf32, #tpu.memory_space<hbm>>
      %dma_start3A_203 = arith.constant 0 : i32
      %dma_start3A_204 = tpu.memref_slice %arg5[%add3A_200, %dma_start3A_203] : memref<819200x128xf32, #tpu.memory_space<hbm>> -> memref<128x64xf32, #tpu.memory_space<hbm>>
      tpu.enqueue_dma source(%arg10 : memref<128x64xf32, #tpu.memory_space<vmem>>) target(%dma_start3A_204 : memref<128x64xf32, #tpu.memory_space<hbm>>) target_semaphore(%arg26 : memref<!tpu.dma_semaphore, #tpu.memory_space<semaphore_mem>>)
      %mul3A_205 = arith.constant 8 : i32
      %mul3A_206 = arith.muli %while3A_145, %mul3A_205 : i32
      %add3A_207 = arith.constant 3 : i32
      %add3A_208 = arith.addi %mul3A_206, %add3A_207 : i32
      %mul3A_209 = arith.constant 0 : i32
      %mul3A_210 = arith.constant 128 : i32
      %mul3A_211 = arith.muli %mul3A_209, %mul3A_210 : i32
      %dma_wait3A_212 = tpu.memref_slice %arg7[%mul3A_211] : memref<25600xi32, #tpu.memory_space<vmem>> -> memref<128xi32, #tpu.memory_space<vmem>>
      %dma_wait3A_213 = arith.constant 0 : i32
      %dma_wait3A_214 = arith.constant 0 : i32
      %dma_wait3A_215 = tpu.memref_slice %arg4[%dma_wait3A_213, %dma_wait3A_214] : memref<32768x64xf32, #tpu.memory_space<hbm>> -> memref<32768x64xf32, #tpu.memory_space<hbm>>
      tpu.wait_indirect_dma semaphore(%arg19 : memref<!tpu.dma_semaphore, #tpu.memory_space<semaphore_mem>>) src(%dma_wait3A_215 : memref<32768x64xf32, #tpu.memory_space<hbm>>) dst(%arg11 : memref<128x64xf32, #tpu.memory_space<vmem>>)
      %mul3A_216 = arith.constant 128 : i32
      %mul3A_217 = arith.muli %add3A_208, %mul3A_216 : i32
      %add3A_218 = arith.addi %mul3A_2, %mul3A_217 : i32
      %dma_start3A_219 = arith.constant 0 : i32
      %dma_start3A_220 = tpu.memref_slice %arg5[%add3A_218, %dma_start3A_219] : memref<819200x128xf32, #tpu.memory_space<hbm>> -> memref<128x64xf32, #tpu.memory_space<hbm>>
      %dma_start3A_221 = arith.constant 0 : i32
      %dma_start3A_222 = tpu.memref_slice %arg5[%add3A_218, %dma_start3A_221] : memref<819200x128xf32, #tpu.memory_space<hbm>> -> memref<128x64xf32, #tpu.memory_space<hbm>>
      tpu.enqueue_dma source(%arg11 : memref<128x64xf32, #tpu.memory_space<vmem>>) target(%dma_start3A_222 : memref<128x64xf32, #tpu.memory_space<hbm>>) target_semaphore(%arg27 : memref<!tpu.dma_semaphore, #tpu.memory_space<semaphore_mem>>)
      %mul3A_223 = arith.constant 8 : i32
      %mul3A_224 = arith.muli %while3A_145, %mul3A_223 : i32
      %add3A_225 = arith.constant 4 : i32
      %add3A_226 = arith.addi %mul3A_224, %add3A_225 : i32
      %mul3A_227 = arith.constant 0 : i32
      %mul3A_228 = arith.constant 128 : i32
      %mul3A_229 = arith.muli %mul3A_227, %mul3A_228 : i32
      %dma_wait3A_230 = tpu.memref_slice %arg7[%mul3A_229] : memref<25600xi32, #tpu.memory_space<vmem>> -> memref<128xi32, #tpu.memory_space<vmem>>
      %dma_wait3A_231 = arith.constant 0 : i32
      %dma_wait3A_232 = arith.constant 0 : i32
      %dma_wait3A_233 = tpu.memref_slice %arg4[%dma_wait3A_231, %dma_wait3A_232] : memref<32768x64xf32, #tpu.memory_space<hbm>> -> memref<32768x64xf32, #tpu.memory_space<hbm>>
      tpu.wait_indirect_dma semaphore(%arg20 : memref<!tpu.dma_semaphore, #tpu.memory_space<semaphore_mem>>) src(%dma_wait3A_233 : memref<32768x64xf32, #tpu.memory_space<hbm>>) dst(%arg12 : memref<128x64xf32, #tpu.memory_space<vmem>>)
      %mul3A_234 = arith.constant 128 : i32
      %mul3A_235 = arith.muli %add3A_226, %mul3A_234 : i32
      %add3A_236 = arith.addi %mul3A_2, %mul3A_235 : i32
      %dma_start3A_237 = arith.constant 0 : i32
      %dma_start3A_238 = tpu.memref_slice %arg5[%add3A_236, %dma_start3A_237] : memref<819200x128xf32, #tpu.memory_space<hbm>> -> memref<128x64xf32, #tpu.memory_space<hbm>>
      %dma_start3A_239 = arith.constant 0 : i32
      %dma_start3A_240 = tpu.memref_slice %arg5[%add3A_236, %dma_start3A_239] : memref<819200x128xf32, #tpu.memory_space<hbm>> -> memref<128x64xf32, #tpu.memory_space<hbm>>
      tpu.enqueue_dma source(%arg12 : memref<128x64xf32, #tpu.memory_space<vmem>>) target(%dma_start3A_240 : memref<128x64xf32, #tpu.memory_space<hbm>>) target_semaphore(%arg28 : memref<!tpu.dma_semaphore, #tpu.memory_space<semaphore_mem>>)
      %mul3A_241 = arith.constant 8 : i32
      %mul3A_242 = arith.muli %while3A_145, %mul3A_241 : i32
      %add3A_243 = arith.constant 5 : i32
      %add3A_244 = arith.addi %mul3A_242, %add3A_243 : i32
      %mul3A_245 = arith.constant 0 : i32
      %mul3A_246 = arith.constant 128 : i32
      %mul3A_247 = arith.muli %mul3A_245, %mul3A_246 : i32
      %dma_wait3A_248 = tpu.memref_slice %arg7[%mul3A_247] : memref<25600xi32, #tpu.memory_space<vmem>> -> memref<128xi32, #tpu.memory_space<vmem>>
      %dma_wait3A_249 = arith.constant 0 : i32
      %dma_wait3A_250 = arith.constant 0 : i32
      %dma_wait3A_251 = tpu.memref_slice %arg4[%dma_wait3A_249, %dma_wait3A_250] : memref<32768x64xf32, #tpu.memory_space<hbm>> -> memref<32768x64xf32, #tpu.memory_space<hbm>>
      tpu.wait_indirect_dma semaphore(%arg21 : memref<!tpu.dma_semaphore, #tpu.memory_space<semaphore_mem>>) src(%dma_wait3A_251 : memref<32768x64xf32, #tpu.memory_space<hbm>>) dst(%arg13 : memref<128x64xf32, #tpu.memory_space<vmem>>)
      %mul3A_252 = arith.constant 128 : i32
      %mul3A_253 = arith.muli %add3A_244, %mul3A_252 : i32
      %add3A_254 = arith.addi %mul3A_2, %mul3A_253 : i32
      %dma_start3A_255 = arith.constant 0 : i32
      %dma_start3A_256 = tpu.memref_slice %arg5[%add3A_254, %dma_start3A_255] : memref<819200x128xf32, #tpu.memory_space<hbm>> -> memref<128x64xf32, #tpu.memory_space<hbm>>
      %dma_start3A_257 = arith.constant 0 : i32
      %dma_start3A_258 = tpu.memref_slice %arg5[%add3A_254, %dma_start3A_257] : memref<819200x128xf32, #tpu.memory_space<hbm>> -> memref<128x64xf32, #tpu.memory_space<hbm>>
      tpu.enqueue_dma source(%arg13 : memref<128x64xf32, #tpu.memory_space<vmem>>) target(%dma_start3A_258 : memref<128x64xf32, #tpu.memory_space<hbm>>) target_semaphore(%arg29 : memref<!tpu.dma_semaphore, #tpu.memory_space<semaphore_mem>>)
      %mul3A_259 = arith.constant 8 : i32
      %mul3A_260 = arith.muli %while3A_145, %mul3A_259 : i32
      %add3A_261 = arith.constant 6 : i32
      %add3A_262 = arith.addi %mul3A_260, %add3A_261 : i32
      %mul3A_263 = arith.constant 0 : i32
      %mul3A_264 = arith.constant 128 : i32
      %mul3A_265 = arith.muli %mul3A_263, %mul3A_264 : i32
      %dma_wait3A_266 = tpu.memref_slice %arg7[%mul3A_265] : memref<25600xi32, #tpu.memory_space<vmem>> -> memref<128xi32, #tpu.memory_space<vmem>>
      %dma_wait3A_267 = arith.constant 0 : i32
      %dma_wait3A_268 = arith.constant 0 : i32
      %dma_wait3A_269 = tpu.memref_slice %arg4[%dma_wait3A_267, %dma_wait3A_268] : memref<32768x64xf32, #tpu.memory_space<hbm>> -> memref<32768x64xf32, #tpu.memory_space<hbm>>
      tpu.wait_indirect_dma semaphore(%arg22 : memref<!tpu.dma_semaphore, #tpu.memory_space<semaphore_mem>>) src(%dma_wait3A_269 : memref<32768x64xf32, #tpu.memory_space<hbm>>) dst(%arg14 : memref<128x64xf32, #tpu.memory_space<vmem>>)
      %mul3A_270 = arith.constant 128 : i32
      %mul3A_271 = arith.muli %add3A_262, %mul3A_270 : i32
      %add3A_272 = arith.addi %mul3A_2, %mul3A_271 : i32
      %dma_start3A_273 = arith.constant 0 : i32
      %dma_start3A_274 = tpu.memref_slice %arg5[%add3A_272, %dma_start3A_273] : memref<819200x128xf32, #tpu.memory_space<hbm>> -> memref<128x64xf32, #tpu.memory_space<hbm>>
      %dma_start3A_275 = arith.constant 0 : i32
      %dma_start3A_276 = tpu.memref_slice %arg5[%add3A_272, %dma_start3A_275] : memref<819200x128xf32, #tpu.memory_space<hbm>> -> memref<128x64xf32, #tpu.memory_space<hbm>>
      tpu.enqueue_dma source(%arg14 : memref<128x64xf32, #tpu.memory_space<vmem>>) target(%dma_start3A_276 : memref<128x64xf32, #tpu.memory_space<hbm>>) target_semaphore(%arg30 : memref<!tpu.dma_semaphore, #tpu.memory_space<semaphore_mem>>)
      %mul3A_277 = arith.constant 8 : i32
      %mul3A_278 = arith.muli %while3A_145, %mul3A_277 : i32
      %add3A_279 = arith.constant 7 : i32
      %add3A_280 = arith.addi %mul3A_278, %add3A_279 : i32
      %mul3A_281 = arith.constant 0 : i32
      %mul3A_282 = arith.constant 128 : i32
      %mul3A_283 = arith.muli %mul3A_281, %mul3A_282 : i32
      %dma_wait3A_284 = tpu.memref_slice %arg7[%mul3A_283] : memref<25600xi32, #tpu.memory_space<vmem>> -> memref<128xi32, #tpu.memory_space<vmem>>
      %dma_wait3A_285 = arith.constant 0 : i32
      %dma_wait3A_286 = arith.constant 0 : i32
      %dma_wait3A_287 = tpu.memref_slice %arg4[%dma_wait3A_285, %dma_wait3A_286] : memref<32768x64xf32, #tpu.memory_space<hbm>> -> memref<32768x64xf32, #tpu.memory_space<hbm>>
      tpu.wait_indirect_dma semaphore(%arg23 : memref<!tpu.dma_semaphore, #tpu.memory_space<semaphore_mem>>) src(%dma_wait3A_287 : memref<32768x64xf32, #tpu.memory_space<hbm>>) dst(%arg15 : memref<128x64xf32, #tpu.memory_space<vmem>>)
      %mul3A_288 = arith.constant 128 : i32
      %mul3A_289 = arith.muli %add3A_280, %mul3A_288 : i32
      %add3A_290 = arith.addi %mul3A_2, %mul3A_289 : i32
      %dma_start3A_291 = arith.constant 0 : i32
      %dma_start3A_292 = tpu.memref_slice %arg5[%add3A_290, %dma_start3A_291] : memref<819200x128xf32, #tpu.memory_space<hbm>> -> memref<128x64xf32, #tpu.memory_space<hbm>>
      %dma_start3A_293 = arith.constant 0 : i32
      %dma_start3A_294 = tpu.memref_slice %arg5[%add3A_290, %dma_start3A_293] : memref<819200x128xf32, #tpu.memory_space<hbm>> -> memref<128x64xf32, #tpu.memory_space<hbm>>
      tpu.enqueue_dma source(%arg15 : memref<128x64xf32, #tpu.memory_space<vmem>>) target(%dma_start3A_294 : memref<128x64xf32, #tpu.memory_space<hbm>>) target_semaphore(%arg31 : memref<!tpu.dma_semaphore, #tpu.memory_space<semaphore_mem>>)
      %add3A_295 = arith.constant 1 : i32
      %add3A_296 = arith.addi %while3A_145, %add3A_295 : i32
      %mul3A_297 = arith.constant 8 : i32
      %mul3A_298 = arith.muli %add3A_296, %mul3A_297 : i32
      %add3A_299 = arith.constant 0 : i32
      %add3A_300 = arith.addi %mul3A_298, %add3A_299 : i32
      %min3A = arith.constant 199 : i32
      %min3A_301 = arith.minsi %add3A_300, %min3A : i32
      %dma_wait3A_302 = arith.constant 0 : i32
      %dma_wait3A_303 = tpu.memref_slice %arg5[%mul3A_2, %dma_wait3A_302] : memref<819200x128xf32, #tpu.memory_space<hbm>> -> memref<128x64xf32, #tpu.memory_space<hbm>>
      %dma_wait3A_304 = arith.constant 0 : i32
      %dma_wait3A_305 = tpu.memref_slice %arg5[%mul3A_2, %dma_wait3A_304] : memref<819200x128xf32, #tpu.memory_space<hbm>> -> memref<128x64xf32, #tpu.memory_space<hbm>>
      tpu.wait_dma2 semaphore(%arg24 : memref<!tpu.dma_semaphore, #tpu.memory_space<semaphore_mem>>) src(%arg8 : memref<128x64xf32, #tpu.memory_space<vmem>>) dst(%dma_wait3A_305 : memref<128x64xf32, #tpu.memory_space<hbm>>)
      %mul3A_306 = arith.constant 128 : i32
      %mul3A_307 = arith.muli %min3A_301, %mul3A_306 : i32
      %dma_start3A_308 = tpu.memref_slice %arg7[%mul3A_307] : memref<25600xi32, #tpu.memory_space<vmem>> -> memref<128xi32, #tpu.memory_space<vmem>>
      %dma_start3A_309 = arith.constant 0 : i32
      %dma_start3A_310 = arith.constant 0 : i32
      %dma_start3A_311 = tpu.memref_slice %arg4[%dma_start3A_309, %dma_start3A_310] : memref<32768x64xf32, #tpu.memory_space<hbm>> -> memref<32768x64xf32, #tpu.memory_space<hbm>>
      tpu.enqueue_indirect_dma source(%dma_start3A_311 : memref<32768x64xf32, #tpu.memory_space<hbm>>) target(%arg8 : memref<128x64xf32, #tpu.memory_space<vmem>>) offsets(%dma_start3A_308 : memref<128xi32, #tpu.memory_space<vmem>>) semaphore(%arg16 : memref<!tpu.dma_semaphore, #tpu.memory_space<semaphore_mem>>)
      %add3A_312 = arith.constant 1 : i32
      %add3A_313 = arith.addi %while3A_145, %add3A_312 : i32
      %mul3A_314 = arith.constant 8 : i32
      %mul3A_315 = arith.muli %add3A_313, %mul3A_314 : i32
      %add3A_316 = arith.constant 1 : i32
      %add3A_317 = arith.addi %mul3A_315, %add3A_316 : i32
      %min3A_318 = arith.constant 199 : i32
      %min3A_319 = arith.minsi %add3A_317, %min3A_318 : i32
      %dma_wait3A_320 = arith.constant 0 : i32
      %dma_wait3A_321 = tpu.memref_slice %arg5[%mul3A_2, %dma_wait3A_320] : memref<819200x128xf32, #tpu.memory_space<hbm>> -> memref<128x64xf32, #tpu.memory_space<hbm>>
      %dma_wait3A_322 = arith.constant 0 : i32
      %dma_wait3A_323 = tpu.memref_slice %arg5[%mul3A_2, %dma_wait3A_322] : memref<819200x128xf32, #tpu.memory_space<hbm>> -> memref<128x64xf32, #tpu.memory_space<hbm>>
      tpu.wait_dma2 semaphore(%arg25 : memref<!tpu.dma_semaphore, #tpu.memory_space<semaphore_mem>>) src(%arg9 : memref<128x64xf32, #tpu.memory_space<vmem>>) dst(%dma_wait3A_323 : memref<128x64xf32, #tpu.memory_space<hbm>>)
      %mul3A_324 = arith.constant 128 : i32
      %mul3A_325 = arith.muli %min3A_319, %mul3A_324 : i32
      %dma_start3A_326 = tpu.memref_slice %arg7[%mul3A_325] : memref<25600xi32, #tpu.memory_space<vmem>> -> memref<128xi32, #tpu.memory_space<vmem>>
      %dma_start3A_327 = arith.constant 0 : i32
      %dma_start3A_328 = arith.constant 0 : i32
      %dma_start3A_329 = tpu.memref_slice %arg4[%dma_start3A_327, %dma_start3A_328] : memref<32768x64xf32, #tpu.memory_space<hbm>> -> memref<32768x64xf32, #tpu.memory_space<hbm>>
      tpu.enqueue_indirect_dma source(%dma_start3A_329 : memref<32768x64xf32, #tpu.memory_space<hbm>>) target(%arg9 : memref<128x64xf32, #tpu.memory_space<vmem>>) offsets(%dma_start3A_326 : memref<128xi32, #tpu.memory_space<vmem>>) semaphore(%arg17 : memref<!tpu.dma_semaphore, #tpu.memory_space<semaphore_mem>>)
      %add3A_330 = arith.constant 1 : i32
      %add3A_331 = arith.addi %while3A_145, %add3A_330 : i32
      %mul3A_332 = arith.constant 8 : i32
      %mul3A_333 = arith.muli %add3A_331, %mul3A_332 : i32
      %add3A_334 = arith.constant 2 : i32
      %add3A_335 = arith.addi %mul3A_333, %add3A_334 : i32
      %min3A_336 = arith.constant 199 : i32
      %min3A_337 = arith.minsi %add3A_335, %min3A_336 : i32
      %dma_wait3A_338 = arith.constant 0 : i32
      %dma_wait3A_339 = tpu.memref_slice %arg5[%mul3A_2, %dma_wait3A_338] : memref<819200x128xf32, #tpu.memory_space<hbm>> -> memref<128x64xf32, #tpu.memory_space<hbm>>
      %dma_wait3A_340 = arith.constant 0 : i32
      %dma_wait3A_341 = tpu.memref_slice %arg5[%mul3A_2, %dma_wait3A_340] : memref<819200x128xf32, #tpu.memory_space<hbm>> -> memref<128x64xf32, #tpu.memory_space<hbm>>
      tpu.wait_dma2 semaphore(%arg26 : memref<!tpu.dma_semaphore, #tpu.memory_space<semaphore_mem>>) src(%arg10 : memref<128x64xf32, #tpu.memory_space<vmem>>) dst(%dma_wait3A_341 : memref<128x64xf32, #tpu.memory_space<hbm>>)
      %mul3A_342 = arith.constant 128 : i32
      %mul3A_343 = arith.muli %min3A_337, %mul3A_342 : i32
      %dma_start3A_344 = tpu.memref_slice %arg7[%mul3A_343] : memref<25600xi32, #tpu.memory_space<vmem>> -> memref<128xi32, #tpu.memory_space<vmem>>
      %dma_start3A_345 = arith.constant 0 : i32
      %dma_start3A_346 = arith.constant 0 : i32
      %dma_start3A_347 = tpu.memref_slice %arg4[%dma_start3A_345, %dma_start3A_346] : memref<32768x64xf32, #tpu.memory_space<hbm>> -> memref<32768x64xf32, #tpu.memory_space<hbm>>
      tpu.enqueue_indirect_dma source(%dma_start3A_347 : memref<32768x64xf32, #tpu.memory_space<hbm>>) target(%arg10 : memref<128x64xf32, #tpu.memory_space<vmem>>) offsets(%dma_start3A_344 : memref<128xi32, #tpu.memory_space<vmem>>) semaphore(%arg18 : memref<!tpu.dma_semaphore, #tpu.memory_space<semaphore_mem>>)
      %add3A_348 = arith.constant 1 : i32
      %add3A_349 = arith.addi %while3A_145, %add3A_348 : i32
      %mul3A_350 = arith.constant 8 : i32
      %mul3A_351 = arith.muli %add3A_349, %mul3A_350 : i32
      %add3A_352 = arith.constant 3 : i32
      %add3A_353 = arith.addi %mul3A_351, %add3A_352 : i32
      %min3A_354 = arith.constant 199 : i32
      %min3A_355 = arith.minsi %add3A_353, %min3A_354 : i32
      %dma_wait3A_356 = arith.constant 0 : i32
      %dma_wait3A_357 = tpu.memref_slice %arg5[%mul3A_2, %dma_wait3A_356] : memref<819200x128xf32, #tpu.memory_space<hbm>> -> memref<128x64xf32, #tpu.memory_space<hbm>>
      %dma_wait3A_358 = arith.constant 0 : i32
      %dma_wait3A_359 = tpu.memref_slice %arg5[%mul3A_2, %dma_wait3A_358] : memref<819200x128xf32, #tpu.memory_space<hbm>> -> memref<128x64xf32, #tpu.memory_space<hbm>>
      tpu.wait_dma2 semaphore(%arg27 : memref<!tpu.dma_semaphore, #tpu.memory_space<semaphore_mem>>) src(%arg11 : memref<128x64xf32, #tpu.memory_space<vmem>>) dst(%dma_wait3A_359 : memref<128x64xf32, #tpu.memory_space<hbm>>)
      %mul3A_360 = arith.constant 128 : i32
      %mul3A_361 = arith.muli %min3A_355, %mul3A_360 : i32
      %dma_start3A_362 = tpu.memref_slice %arg7[%mul3A_361] : memref<25600xi32, #tpu.memory_space<vmem>> -> memref<128xi32, #tpu.memory_space<vmem>>
      %dma_start3A_363 = arith.constant 0 : i32
      %dma_start3A_364 = arith.constant 0 : i32
      %dma_start3A_365 = tpu.memref_slice %arg4[%dma_start3A_363, %dma_start3A_364] : memref<32768x64xf32, #tpu.memory_space<hbm>> -> memref<32768x64xf32, #tpu.memory_space<hbm>>
      tpu.enqueue_indirect_dma source(%dma_start3A_365 : memref<32768x64xf32, #tpu.memory_space<hbm>>) target(%arg11 : memref<128x64xf32, #tpu.memory_space<vmem>>) offsets(%dma_start3A_362 : memref<128xi32, #tpu.memory_space<vmem>>) semaphore(%arg19 : memref<!tpu.dma_semaphore, #tpu.memory_space<semaphore_mem>>)
      %add3A_366 = arith.constant 1 : i32
      %add3A_367 = arith.addi %while3A_145, %add3A_366 : i32
      %mul3A_368 = arith.constant 8 : i32
      %mul3A_369 = arith.muli %add3A_367, %mul3A_368 : i32
      %add3A_370 = arith.constant 4 : i32
      %add3A_371 = arith.addi %mul3A_369, %add3A_370 : i32
      %min3A_372 = arith.constant 199 : i32
      %min3A_373 = arith.minsi %add3A_371, %min3A_372 : i32
      %dma_wait3A_374 = arith.constant 0 : i32
      %dma_wait3A_375 = tpu.memref_slice %arg5[%mul3A_2, %dma_wait3A_374] : memref<819200x128xf32, #tpu.memory_space<hbm>> -> memref<128x64xf32, #tpu.memory_space<hbm>>
      %dma_wait3A_376 = arith.constant 0 : i32
      %dma_wait3A_377 = tpu.memref_slice %arg5[%mul3A_2, %dma_wait3A_376] : memref<819200x128xf32, #tpu.memory_space<hbm>> -> memref<128x64xf32, #tpu.memory_space<hbm>>
      tpu.wait_dma2 semaphore(%arg28 : memref<!tpu.dma_semaphore, #tpu.memory_space<semaphore_mem>>) src(%arg12 : memref<128x64xf32, #tpu.memory_space<vmem>>) dst(%dma_wait3A_377 : memref<128x64xf32, #tpu.memory_space<hbm>>)
      %mul3A_378 = arith.constant 128 : i32
      %mul3A_379 = arith.muli %min3A_373, %mul3A_378 : i32
      %dma_start3A_380 = tpu.memref_slice %arg7[%mul3A_379] : memref<25600xi32, #tpu.memory_space<vmem>> -> memref<128xi32, #tpu.memory_space<vmem>>
      %dma_start3A_381 = arith.constant 0 : i32
      %dma_start3A_382 = arith.constant 0 : i32
      %dma_start3A_383 = tpu.memref_slice %arg4[%dma_start3A_381, %dma_start3A_382] : memref<32768x64xf32, #tpu.memory_space<hbm>> -> memref<32768x64xf32, #tpu.memory_space<hbm>>
      tpu.enqueue_indirect_dma source(%dma_start3A_383 : memref<32768x64xf32, #tpu.memory_space<hbm>>) target(%arg12 : memref<128x64xf32, #tpu.memory_space<vmem>>) offsets(%dma_start3A_380 : memref<128xi32, #tpu.memory_space<vmem>>) semaphore(%arg20 : memref<!tpu.dma_semaphore, #tpu.memory_space<semaphore_mem>>)
      %add3A_384 = arith.constant 1 : i32
      %add3A_385 = arith.addi %while3A_145, %add3A_384 : i32
      %mul3A_386 = arith.constant 8 : i32
      %mul3A_387 = arith.muli %add3A_385, %mul3A_386 : i32
      %add3A_388 = arith.constant 5 : i32
      %add3A_389 = arith.addi %mul3A_387, %add3A_388 : i32
      %min3A_390 = arith.constant 199 : i32
      %min3A_391 = arith.minsi %add3A_389, %min3A_390 : i32
      %dma_wait3A_392 = arith.constant 0 : i32
      %dma_wait3A_393 = tpu.memref_slice %arg5[%mul3A_2, %dma_wait3A_392] : memref<819200x128xf32, #tpu.memory_space<hbm>> -> memref<128x64xf32, #tpu.memory_space<hbm>>
      %dma_wait3A_394 = arith.constant 0 : i32
      %dma_wait3A_395 = tpu.memref_slice %arg5[%mul3A_2, %dma_wait3A_394] : memref<819200x128xf32, #tpu.memory_space<hbm>> -> memref<128x64xf32, #tpu.memory_space<hbm>>
      tpu.wait_dma2 semaphore(%arg29 : memref<!tpu.dma_semaphore, #tpu.memory_space<semaphore_mem>>) src(%arg13 : memref<128x64xf32, #tpu.memory_space<vmem>>) dst(%dma_wait3A_395 : memref<128x64xf32, #tpu.memory_space<hbm>>)
      %mul3A_396 = arith.constant 128 : i32
      %mul3A_397 = arith.muli %min3A_391, %mul3A_396 : i32
      %dma_start3A_398 = tpu.memref_slice %arg7[%mul3A_397] : memref<25600xi32, #tpu.memory_space<vmem>> -> memref<128xi32, #tpu.memory_space<vmem>>
      %dma_start3A_399 = arith.constant 0 : i32
      %dma_start3A_400 = arith.constant 0 : i32
      %dma_start3A_401 = tpu.memref_slice %arg4[%dma_start3A_399, %dma_start3A_400] : memref<32768x64xf32, #tpu.memory_space<hbm>> -> memref<32768x64xf32, #tpu.memory_space<hbm>>
      tpu.enqueue_indirect_dma source(%dma_start3A_401 : memref<32768x64xf32, #tpu.memory_space<hbm>>) target(%arg13 : memref<128x64xf32, #tpu.memory_space<vmem>>) offsets(%dma_start3A_398 : memref<128xi32, #tpu.memory_space<vmem>>) semaphore(%arg21 : memref<!tpu.dma_semaphore, #tpu.memory_space<semaphore_mem>>)
      %add3A_402 = arith.constant 1 : i32
      %add3A_403 = arith.addi %while3A_145, %add3A_402 : i32
      %mul3A_404 = arith.constant 8 : i32
      %mul3A_405 = arith.muli %add3A_403, %mul3A_404 : i32
      %add3A_406 = arith.constant 6 : i32
      %add3A_407 = arith.addi %mul3A_405, %add3A_406 : i32
      %min3A_408 = arith.constant 199 : i32
      %min3A_409 = arith.minsi %add3A_407, %min3A_408 : i32
      %dma_wait3A_410 = arith.constant 0 : i32
      %dma_wait3A_411 = tpu.memref_slice %arg5[%mul3A_2, %dma_wait3A_410] : memref<819200x128xf32, #tpu.memory_space<hbm>> -> memref<128x64xf32, #tpu.memory_space<hbm>>
      %dma_wait3A_412 = arith.constant 0 : i32
      %dma_wait3A_413 = tpu.memref_slice %arg5[%mul3A_2, %dma_wait3A_412] : memref<819200x128xf32, #tpu.memory_space<hbm>> -> memref<128x64xf32, #tpu.memory_space<hbm>>
      tpu.wait_dma2 semaphore(%arg30 : memref<!tpu.dma_semaphore, #tpu.memory_space<semaphore_mem>>) src(%arg14 : memref<128x64xf32, #tpu.memory_space<vmem>>) dst(%dma_wait3A_413 : memref<128x64xf32, #tpu.memory_space<hbm>>)
      %mul3A_414 = arith.constant 128 : i32
      %mul3A_415 = arith.muli %min3A_409, %mul3A_414 : i32
      %dma_start3A_416 = tpu.memref_slice %arg7[%mul3A_415] : memref<25600xi32, #tpu.memory_space<vmem>> -> memref<128xi32, #tpu.memory_space<vmem>>
      %dma_start3A_417 = arith.constant 0 : i32
      %dma_start3A_418 = arith.constant 0 : i32
      %dma_start3A_419 = tpu.memref_slice %arg4[%dma_start3A_417, %dma_start3A_418] : memref<32768x64xf32, #tpu.memory_space<hbm>> -> memref<32768x64xf32, #tpu.memory_space<hbm>>
      tpu.enqueue_indirect_dma source(%dma_start3A_419 : memref<32768x64xf32, #tpu.memory_space<hbm>>) target(%arg14 : memref<128x64xf32, #tpu.memory_space<vmem>>) offsets(%dma_start3A_416 : memref<128xi32, #tpu.memory_space<vmem>>) semaphore(%arg22 : memref<!tpu.dma_semaphore, #tpu.memory_space<semaphore_mem>>)
      %add3A_420 = arith.constant 1 : i32
      %add3A_421 = arith.addi %while3A_145, %add3A_420 : i32
      %mul3A_422 = arith.constant 8 : i32
      %mul3A_423 = arith.muli %add3A_421, %mul3A_422 : i32
      %add3A_424 = arith.constant 7 : i32
      %add3A_425 = arith.addi %mul3A_423, %add3A_424 : i32
      %min3A_426 = arith.constant 199 : i32
      %min3A_427 = arith.minsi %add3A_425, %min3A_426 : i32
      %dma_wait3A_428 = arith.constant 0 : i32
      %dma_wait3A_429 = tpu.memref_slice %arg5[%mul3A_2, %dma_wait3A_428] : memref<819200x128xf32, #tpu.memory_space<hbm>> -> memref<128x64xf32, #tpu.memory_space<hbm>>
      %dma_wait3A_430 = arith.constant 0 : i32
      %dma_wait3A_431 = tpu.memref_slice %arg5[%mul3A_2, %dma_wait3A_430] : memref<819200x128xf32, #tpu.memory_space<hbm>> -> memref<128x64xf32, #tpu.memory_space<hbm>>
      tpu.wait_dma2 semaphore(%arg31 : memref<!tpu.dma_semaphore, #tpu.memory_space<semaphore_mem>>) src(%arg15 : memref<128x64xf32, #tpu.memory_space<vmem>>) dst(%dma_wait3A_431 : memref<128x64xf32, #tpu.memory_space<hbm>>)
      %mul3A_432 = arith.constant 128 : i32
      %mul3A_433 = arith.muli %min3A_427, %mul3A_432 : i32
      %dma_start3A_434 = tpu.memref_slice %arg7[%mul3A_433] : memref<25600xi32, #tpu.memory_space<vmem>> -> memref<128xi32, #tpu.memory_space<vmem>>
      %dma_start3A_435 = arith.constant 0 : i32
      %dma_start3A_436 = arith.constant 0 : i32
      %dma_start3A_437 = tpu.memref_slice %arg4[%dma_start3A_435, %dma_start3A_436] : memref<32768x64xf32, #tpu.memory_space<hbm>> -> memref<32768x64xf32, #tpu.memory_space<hbm>>
      tpu.enqueue_indirect_dma source(%dma_start3A_437 : memref<32768x64xf32, #tpu.memory_space<hbm>>) target(%arg15 : memref<128x64xf32, #tpu.memory_space<vmem>>) offsets(%dma_start3A_434 : memref<128xi32, #tpu.memory_space<vmem>>) semaphore(%arg23 : memref<!tpu.dma_semaphore, #tpu.memory_space<semaphore_mem>>)
    }
    %while3A_89 = arith.constant 1 : i32
    scf.for %while3A_145 = %while3A_87 to %while3A_83 step %while3A_89  : i32 {
      %add3A_146 = arith.constant 2 : i32
      %add3A_147 = arith.addi %while3A_145, %add3A_146 : i32
      %lt3A_148 = arith.constant 25 : i32
      %lt3A_149 = arith.cmpi slt, %add3A_147, %lt3A_148 : i32
      %convert_element_type3A = arith.extui %lt3A_149 : i1 to i32
      %cond3A = arith.constant 0 : i32
      %cond3A_150 = arith.cmpi ne, %convert_element_type3A, %cond3A : i32
      scf.if %cond3A_150 {
        %add3A_438 = arith.constant 2 : i32
        %add3A_439 = arith.addi %while3A_145, %add3A_438 : i32
        %mul3A_440 = arith.constant 8 : i32
        %mul3A_441 = arith.muli %add3A_439, %mul3A_440 : i32
        %add3A_442 = arith.constant 1 : i32
        %add3A_443 = arith.addi %add3A_439, %add3A_442 : i32
        %mul3A_444 = arith.constant 8 : i32
        %mul3A_445 = arith.muli %add3A_443, %mul3A_444 : i32
        %while3A_446 = arith.constant 0 : i32
        %while3A_447 = arith.subi %mul3A_445, %mul3A_441 : i32
        %while3A_448 = arith.addi %mul3A_441, %while3A_447 : i32
        %while3A_449 = arith.constant 1 : i32
        %while3A_450 = arith.divsi %while3A_447, %while3A_449 : i32
        %while3A_451 = arith.muli %while3A_450, %while3A_449 : i32
        %while3A_452 = arith.addi %mul3A_441, %while3A_451 : i32
        %while3A_453 = arith.constant 1 : i32
        scf.for %while3A_455 = %mul3A_441 to %while3A_452 step %while3A_453  : i32 {
          %mul3A_456 = arith.constant 8 : i32
          %mul3A_457 = arith.muli %while3A_455, %mul3A_456 : i32
          %add3A_458 = arith.constant 0 : i32
          %add3A_459 = arith.addi %mul3A_457, %add3A_458 : i32
          %mul3A_460 = arith.constant 16 : i32
          %mul3A_461 = arith.muli %add3A_459, %mul3A_460 : i32
          %get3A = arith.index_cast %mul3A_461 : i32 to index
          %get3A_462 = tpu.vector_load %arg7[%get3A] {strides = array<i32>} : memref<25600xi32, #tpu.memory_space<vmem>>, vector<16xi32>,
          %gather3A = tpu.vector_load_idx %arg6[%get3A_462] : memref<20000xi32, #tpu.memory_space<vmem>>[vector<16xi32>], vector<16xi32>,
          %add3A_463 = vector.broadcast %mul3A_13 : i32 to vector<16xi32>
          %add3A_464 = arith.addi %gather3A, %add3A_463 : vector<16xi32>
          %swap3A = arith.index_cast %mul3A_461 : i32 to index
          %swap3A_465 = tpu.vector_load %arg7[%swap3A] {strides = array<i32>} : memref<25600xi32, #tpu.memory_space<vmem>>, vector<16xi32>,
          tpu.vector_store %arg7[%swap3A], %add3A_464 {strides = array<i32>} : memref<25600xi32, #tpu.memory_space<vmem>>, vector<16xi32>,
          %add3A_466 = arith.constant 1 : i32
          %add3A_467 = arith.addi %mul3A_457, %add3A_466 : i32
          %mul3A_468 = arith.constant 16 : i32
          %mul3A_469 = arith.muli %add3A_467, %mul3A_468 : i32
          %get3A_470 = arith.index_cast %mul3A_469 : i32 to index
          %get3A_471 = tpu.vector_load %arg7[%get3A_470] {strides = array<i32>} : memref<25600xi32, #tpu.memory_space<vmem>>, vector<16xi32>,
          %gather3A_472 = tpu.vector_load_idx %arg6[%get3A_471] : memref<20000xi32, #tpu.memory_space<vmem>>[vector<16xi32>], vector<16xi32>,
          %add3A_473 = vector.broadcast %mul3A_13 : i32 to vector<16xi32>
          %add3A_474 = arith.addi %gather3A_472, %add3A_473 : vector<16xi32>
          %swap3A_475 = arith.index_cast %mul3A_469 : i32 to index
          %swap3A_476 = tpu.vector_load %arg7[%swap3A_475] {strides = array<i32>} : memref<25600xi32, #tpu.memory_space<vmem>>, vector<16xi32>,
          tpu.vector_store %arg7[%swap3A_475], %add3A_474 {strides = array<i32>} : memref<25600xi32, #tpu.memory_space<vmem>>, vector<16xi32>,
          %add3A_477 = arith.constant 2 : i32
          %add3A_478 = arith.addi %mul3A_457, %add3A_477 : i32
          %mul3A_479 = arith.constant 16 : i32
          %mul3A_480 = arith.muli %add3A_478, %mul3A_479 : i32
          %get3A_481 = arith.index_cast %mul3A_480 : i32 to index
          %get3A_482 = tpu.vector_load %arg7[%get3A_481] {strides = array<i32>} : memref<25600xi32, #tpu.memory_space<vmem>>, vector<16xi32>,
          %gather3A_483 = tpu.vector_load_idx %arg6[%get3A_482] : memref<20000xi32, #tpu.memory_space<vmem>>[vector<16xi32>], vector<16xi32>,
          %add3A_484 = vector.broadcast %mul3A_13 : i32 to vector<16xi32>
          %add3A_485 = arith.addi %gather3A_483, %add3A_484 : vector<16xi32>
          %swap3A_486 = arith.index_cast %mul3A_480 : i32 to index
          %swap3A_487 = tpu.vector_load %arg7[%swap3A_486] {strides = array<i32>} : memref<25600xi32, #tpu.memory_space<vmem>>, vector<16xi32>,
          tpu.vector_store %arg7[%swap3A_486], %add3A_485 {strides = array<i32>} : memref<25600xi32, #tpu.memory_space<vmem>>, vector<16xi32>,
          %add3A_488 = arith.constant 3 : i32
          %add3A_489 = arith.addi %mul3A_457, %add3A_488 : i32
          %mul3A_490 = arith.constant 16 : i32
          %mul3A_491 = arith.muli %add3A_489, %mul3A_490 : i32
          %get3A_492 = arith.index_cast %mul3A_491 : i32 to index
          %get3A_493 = tpu.vector_load %arg7[%get3A_492] {strides = array<i32>} : memref<25600xi32, #tpu.memory_space<vmem>>, vector<16xi32>,
          %gather3A_494 = tpu.vector_load_idx %arg6[%get3A_493] : memref<20000xi32, #tpu.memory_space<vmem>>[vector<16xi32>], vector<16xi32>,
          %add3A_495 = vector.broadcast %mul3A_13 : i32 to vector<16xi32>
          %add3A_496 = arith.addi %gather3A_494, %add3A_495 : vector<16xi32>
          %swap3A_497 = arith.index_cast %mul3A_491 : i32 to index
          %swap3A_498 = tpu.vector_load %arg7[%swap3A_497] {strides = array<i32>} : memref<25600xi32, #tpu.memory_space<vmem>>, vector<16xi32>,
          tpu.vector_store %arg7[%swap3A_497], %add3A_496 {strides = array<i32>} : memref<25600xi32, #tpu.memory_space<vmem>>, vector<16xi32>,
          %add3A_499 = arith.constant 4 : i32
          %add3A_500 = arith.addi %mul3A_457, %add3A_499 : i32
          %mul3A_501 = arith.constant 16 : i32
          %mul3A_502 = arith.muli %add3A_500, %mul3A_501 : i32
          %get3A_503 = arith.index_cast %mul3A_502 : i32 to index
          %get3A_504 = tpu.vector_load %arg7[%get3A_503] {strides = array<i32>} : memref<25600xi32, #tpu.memory_space<vmem>>, vector<16xi32>,
          %gather3A_505 = tpu.vector_load_idx %arg6[%get3A_504] : memref<20000xi32, #tpu.memory_space<vmem>>[vector<16xi32>], vector<16xi32>,
          %add3A_506 = vector.broadcast %mul3A_13 : i32 to vector<16xi32>
          %add3A_507 = arith.addi %gather3A_505, %add3A_506 : vector<16xi32>
          %swap3A_508 = arith.index_cast %mul3A_502 : i32 to index
          %swap3A_509 = tpu.vector_load %arg7[%swap3A_508] {strides = array<i32>} : memref<25600xi32, #tpu.memory_space<vmem>>, vector<16xi32>,
          tpu.vector_store %arg7[%swap3A_508], %add3A_507 {strides = array<i32>} : memref<25600xi32, #tpu.memory_space<vmem>>, vector<16xi32>,
          %add3A_510 = arith.constant 5 : i32
          %add3A_511 = arith.addi %mul3A_457, %add3A_510 : i32
          %mul3A_512 = arith.constant 16 : i32
          %mul3A_513 = arith.muli %add3A_511, %mul3A_512 : i32
          %get3A_514 = arith.index_cast %mul3A_513 : i32 to index
          %get3A_515 = tpu.vector_load %arg7[%get3A_514] {strides = array<i32>} : memref<25600xi32, #tpu.memory_space<vmem>>, vector<16xi32>,
          %gather3A_516 = tpu.vector_load_idx %arg6[%get3A_515] : memref<20000xi32, #tpu.memory_space<vmem>>[vector<16xi32>], vector<16xi32>,
          %add3A_517 = vector.broadcast %mul3A_13 : i32 to vector<16xi32>
          %add3A_518 = arith.addi %gather3A_516, %add3A_517 : vector<16xi32>
          %swap3A_519 = arith.index_cast %mul3A_513 : i32 to index
          %swap3A_520 = tpu.vector_load %arg7[%swap3A_519] {strides = array<i32>} : memref<25600xi32, #tpu.memory_space<vmem>>, vector<16xi32>,
          tpu.vector_store %arg7[%swap3A_519], %add3A_518 {strides = array<i32>} : memref<25600xi32, #tpu.memory_space<vmem>>, vector<16xi32>,
          %add3A_521 = arith.constant 6 : i32
          %add3A_522 = arith.addi %mul3A_457, %add3A_521 : i32
          %mul3A_523 = arith.constant 16 : i32
          %mul3A_524 = arith.muli %add3A_522, %mul3A_523 : i32
          %get3A_525 = arith.index_cast %mul3A_524 : i32 to index
          %get3A_526 = tpu.vector_load %arg7[%get3A_525] {strides = array<i32>} : memref<25600xi32, #tpu.memory_space<vmem>>, vector<16xi32>,
          %gather3A_527 = tpu.vector_load_idx %arg6[%get3A_526] : memref<20000xi32, #tpu.memory_space<vmem>>[vector<16xi32>], vector<16xi32>,
          %add3A_528 = vector.broadcast %mul3A_13 : i32 to vector<16xi32>
          %add3A_529 = arith.addi %gather3A_527, %add3A_528 : vector<16xi32>
          %swap3A_530 = arith.index_cast %mul3A_524 : i32 to index
          %swap3A_531 = tpu.vector_load %arg7[%swap3A_530] {strides = array<i32>} : memref<25600xi32, #tpu.memory_space<vmem>>, vector<16xi32>,
          tpu.vector_store %arg7[%swap3A_530], %add3A_529 {strides = array<i32>} : memref<25600xi32, #tpu.memory_space<vmem>>, vector<16xi32>,
          %add3A_532 = arith.constant 7 : i32
          %add3A_533 = arith.addi %mul3A_457, %add3A_532 : i32
          %mul3A_534 = arith.constant 16 : i32
          %mul3A_535 = arith.muli %add3A_533, %mul3A_534 : i32
          %get3A_536 = arith.index_cast %mul3A_535 : i32 to index
          %get3A_537 = tpu.vector_load %arg7[%get3A_536] {strides = array<i32>} : memref<25600xi32, #tpu.memory_space<vmem>>, vector<16xi32>,
          %gather3A_538 = tpu.vector_load_idx %arg6[%get3A_537] : memref<20000xi32, #tpu.memory_space<vmem>>[vector<16xi32>], vector<16xi32>,
          %add3A_539 = vector.broadcast %mul3A_13 : i32 to vector<16xi32>
          %add3A_540 = arith.addi %gather3A_538, %add3A_539 : vector<16xi32>
          %swap3A_541 = arith.index_cast %mul3A_535 : i32 to index
          %swap3A_542 = tpu.vector_load %arg7[%swap3A_541] {strides = array<i32>} : memref<25600xi32, #tpu.memory_space<vmem>>, vector<16xi32>,
          tpu.vector_store %arg7[%swap3A_541], %add3A_540 {strides = array<i32>} : memref<25600xi32, #tpu.memory_space<vmem>>, vector<16xi32>,
        }
        %while3A_454 = arith.constant 1 : i32
        scf.for %while3A_455 = %while3A_452 to %while3A_448 step %while3A_454  : i32 {
          %mul3A_456 = arith.constant 8 : i32
          %mul3A_457 = arith.muli %while3A_455, %mul3A_456 : i32
          %add3A_458 = arith.constant 0 : i32
          %add3A_459 = arith.addi %mul3A_457, %add3A_458 : i32
          %mul3A_460 = arith.constant 16 : i32
          %mul3A_461 = arith.muli %add3A_459, %mul3A_460 : i32
          %get3A = arith.index_cast %mul3A_461 : i32 to index
          %get3A_462 = tpu.vector_load %arg7[%get3A] {strides = array<i32>} : memref<25600xi32, #tpu.memory_space<vmem>>, vector<16xi32>,
          %gather3A = tpu.vector_load_idx %arg6[%get3A_462] : memref<20000xi32, #tpu.memory_space<vmem>>[vector<16xi32>], vector<16xi32>,
          %add3A_463 = vector.broadcast %mul3A_13 : i32 to vector<16xi32>
          %add3A_464 = arith.addi %gather3A, %add3A_463 : vector<16xi32>
          %swap3A = arith.index_cast %mul3A_461 : i32 to index
          %swap3A_465 = tpu.vector_load %arg7[%swap3A] {strides = array<i32>} : memref<25600xi32, #tpu.memory_space<vmem>>, vector<16xi32>,
          tpu.vector_store %arg7[%swap3A], %add3A_464 {strides = array<i32>} : memref<25600xi32, #tpu.memory_space<vmem>>, vector<16xi32>,
          %add3A_466 = arith.constant 1 : i32
          %add3A_467 = arith.addi %mul3A_457, %add3A_466 : i32
          %mul3A_468 = arith.constant 16 : i32
          %mul3A_469 = arith.muli %add3A_467, %mul3A_468 : i32
          %get3A_470 = arith.index_cast %mul3A_469 : i32 to index
          %get3A_471 = tpu.vector_load %arg7[%get3A_470] {strides = array<i32>} : memref<25600xi32, #tpu.memory_space<vmem>>, vector<16xi32>,
          %gather3A_472 = tpu.vector_load_idx %arg6[%get3A_471] : memref<20000xi32, #tpu.memory_space<vmem>>[vector<16xi32>], vector<16xi32>,
          %add3A_473 = vector.broadcast %mul3A_13 : i32 to vector<16xi32>
          %add3A_474 = arith.addi %gather3A_472, %add3A_473 : vector<16xi32>
          %swap3A_475 = arith.index_cast %mul3A_469 : i32 to index
          %swap3A_476 = tpu.vector_load %arg7[%swap3A_475] {strides = array<i32>} : memref<25600xi32, #tpu.memory_space<vmem>>, vector<16xi32>,
          tpu.vector_store %arg7[%swap3A_475], %add3A_474 {strides = array<i32>} : memref<25600xi32, #tpu.memory_space<vmem>>, vector<16xi32>,
          %add3A_477 = arith.constant 2 : i32
          %add3A_478 = arith.addi %mul3A_457, %add3A_477 : i32
          %mul3A_479 = arith.constant 16 : i32
          %mul3A_480 = arith.muli %add3A_478, %mul3A_479 : i32
          %get3A_481 = arith.index_cast %mul3A_480 : i32 to index
          %get3A_482 = tpu.vector_load %arg7[%get3A_481] {strides = array<i32>} : memref<25600xi32, #tpu.memory_space<vmem>>, vector<16xi32>,
          %gather3A_483 = tpu.vector_load_idx %arg6[%get3A_482] : memref<20000xi32, #tpu.memory_space<vmem>>[vector<16xi32>], vector<16xi32>,
          %add3A_484 = vector.broadcast %mul3A_13 : i32 to vector<16xi32>
          %add3A_485 = arith.addi %gather3A_483, %add3A_484 : vector<16xi32>
          %swap3A_486 = arith.index_cast %mul3A_480 : i32 to index
          %swap3A_487 = tpu.vector_load %arg7[%swap3A_486] {strides = array<i32>} : memref<25600xi32, #tpu.memory_space<vmem>>, vector<16xi32>,
          tpu.vector_store %arg7[%swap3A_486], %add3A_485 {strides = array<i32>} : memref<25600xi32, #tpu.memory_space<vmem>>, vector<16xi32>,
          %add3A_488 = arith.constant 3 : i32
          %add3A_489 = arith.addi %mul3A_457, %add3A_488 : i32
          %mul3A_490 = arith.constant 16 : i32
          %mul3A_491 = arith.muli %add3A_489, %mul3A_490 : i32
          %get3A_492 = arith.index_cast %mul3A_491 : i32 to index
          %get3A_493 = tpu.vector_load %arg7[%get3A_492] {strides = array<i32>} : memref<25600xi32, #tpu.memory_space<vmem>>, vector<16xi32>,
          %gather3A_494 = tpu.vector_load_idx %arg6[%get3A_493] : memref<20000xi32, #tpu.memory_space<vmem>>[vector<16xi32>], vector<16xi32>,
          %add3A_495 = vector.broadcast %mul3A_13 : i32 to vector<16xi32>
          %add3A_496 = arith.addi %gather3A_494, %add3A_495 : vector<16xi32>
          %swap3A_497 = arith.index_cast %mul3A_491 : i32 to index
          %swap3A_498 = tpu.vector_load %arg7[%swap3A_497] {strides = array<i32>} : memref<25600xi32, #tpu.memory_space<vmem>>, vector<16xi32>,
          tpu.vector_store %arg7[%swap3A_497], %add3A_496 {strides = array<i32>} : memref<25600xi32, #tpu.memory_space<vmem>>, vector<16xi32>,
          %add3A_499 = arith.constant 4 : i32
          %add3A_500 = arith.addi %mul3A_457, %add3A_499 : i32
          %mul3A_501 = arith.constant 16 : i32
          %mul3A_502 = arith.muli %add3A_500, %mul3A_501 : i32
          %get3A_503 = arith.index_cast %mul3A_502 : i32 to index
          %get3A_504 = tpu.vector_load %arg7[%get3A_503] {strides = array<i32>} : memref<25600xi32, #tpu.memory_space<vmem>>, vector<16xi32>,
          %gather3A_505 = tpu.vector_load_idx %arg6[%get3A_504] : memref<20000xi32, #tpu.memory_space<vmem>>[vector<16xi32>], vector<16xi32>,
          %add3A_506 = vector.broadcast %mul3A_13 : i32 to vector<16xi32>
          %add3A_507 = arith.addi %gather3A_505, %add3A_506 : vector<16xi32>
          %swap3A_508 = arith.index_cast %mul3A_502 : i32 to index
          %swap3A_509 = tpu.vector_load %arg7[%swap3A_508] {strides = array<i32>} : memref<25600xi32, #tpu.memory_space<vmem>>, vector<16xi32>,
          tpu.vector_store %arg7[%swap3A_508], %add3A_507 {strides = array<i32>} : memref<25600xi32, #tpu.memory_space<vmem>>, vector<16xi32>,
          %add3A_510 = arith.constant 5 : i32
          %add3A_511 = arith.addi %mul3A_457, %add3A_510 : i32
          %mul3A_512 = arith.constant 16 : i32
          %mul3A_513 = arith.muli %add3A_511, %mul3A_512 : i32
          %get3A_514 = arith.index_cast %mul3A_513 : i32 to index
          %get3A_515 = tpu.vector_load %arg7[%get3A_514] {strides = array<i32>} : memref<25600xi32, #tpu.memory_space<vmem>>, vector<16xi32>,
          %gather3A_516 = tpu.vector_load_idx %arg6[%get3A_515] : memref<20000xi32, #tpu.memory_space<vmem>>[vector<16xi32>], vector<16xi32>,
          %add3A_517 = vector.broadcast %mul3A_13 : i32 to vector<16xi32>
          %add3A_518 = arith.addi %gather3A_516, %add3A_517 : vector<16xi32>
          %swap3A_519 = arith.index_cast %mul3A_513 : i32 to index
          %swap3A_520 = tpu.vector_load %arg7[%swap3A_519] {strides = array<i32>} : memref<25600xi32, #tpu.memory_space<vmem>>, vector<16xi32>,
          tpu.vector_store %arg7[%swap3A_519], %add3A_518 {strides = array<i32>} : memref<25600xi32, #tpu.memory_space<vmem>>, vector<16xi32>,
          %add3A_521 = arith.constant 6 : i32
          %add3A_522 = arith.addi %mul3A_457, %add3A_521 : i32
          %mul3A_523 = arith.constant 16 : i32
          %mul3A_524 = arith.muli %add3A_522, %mul3A_523 : i32
          %get3A_525 = arith.index_cast %mul3A_524 : i32 to index
          %get3A_526 = tpu.vector_load %arg7[%get3A_525] {strides = array<i32>} : memref<25600xi32, #tpu.memory_space<vmem>>, vector<16xi32>,
          %gather3A_527 = tpu.vector_load_idx %arg6[%get3A_526] : memref<20000xi32, #tpu.memory_space<vmem>>[vector<16xi32>], vector<16xi32>,
          %add3A_528 = vector.broadcast %mul3A_13 : i32 to vector<16xi32>
          %add3A_529 = arith.addi %gather3A_527, %add3A_528 : vector<16xi32>
          %swap3A_530 = arith.index_cast %mul3A_524 : i32 to index
          %swap3A_531 = tpu.vector_load %arg7[%swap3A_530] {strides = array<i32>} : memref<25600xi32, #tpu.memory_space<vmem>>, vector<16xi32>,
          tpu.vector_store %arg7[%swap3A_530], %add3A_529 {strides = array<i32>} : memref<25600xi32, #tpu.memory_space<vmem>>, vector<16xi32>,
          %add3A_532 = arith.constant 7 : i32
          %add3A_533 = arith.addi %mul3A_457, %add3A_532 : i32
          %mul3A_534 = arith.constant 16 : i32
          %mul3A_535 = arith.muli %add3A_533, %mul3A_534 : i32
          %get3A_536 = arith.index_cast %mul3A_535 : i32 to index
          %get3A_537 = tpu.vector_load %arg7[%get3A_536] {strides = array<i32>} : memref<25600xi32, #tpu.memory_space<vmem>>, vector<16xi32>,
          %gather3A_538 = tpu.vector_load_idx %arg6[%get3A_537] : memref<20000xi32, #tpu.memory_space<vmem>>[vector<16xi32>], vector<16xi32>,
          %add3A_539 = vector.broadcast %mul3A_13 : i32 to vector<16xi32>
          %add3A_540 = arith.addi %gather3A_538, %add3A_539 : vector<16xi32>
          %swap3A_541 = arith.index_cast %mul3A_535 : i32 to index
          %swap3A_542 = tpu.vector_load %arg7[%swap3A_541] {strides = array<i32>} : memref<25600xi32, #tpu.memory_space<vmem>>, vector<16xi32>,
          tpu.vector_store %arg7[%swap3A_541], %add3A_540 {strides = array<i32>} : memref<25600xi32, #tpu.memory_space<vmem>>, vector<16xi32>,
        }
      } else {
      }
      %mul3A_151 = arith.constant 8 : i32
      %mul3A_152 = arith.muli %while3A_145, %mul3A_151 : i32
      %add3A_153 = arith.constant 0 : i32
      %add3A_154 = arith.addi %mul3A_152, %add3A_153 : i32
      %mul3A_155 = arith.constant 0 : i32
      %mul3A_156 = arith.constant 128 : i32
      %mul3A_157 = arith.muli %mul3A_155, %mul3A_156 : i32
      %dma_wait3A_158 = tpu.memref_slice %arg7[%mul3A_157] : memref<25600xi32, #tpu.memory_space<vmem>> -> memref<128xi32, #tpu.memory_space<vmem>>
      %dma_wait3A_159 = arith.constant 0 : i32
      %dma_wait3A_160 = arith.constant 0 : i32
      %dma_wait3A_161 = tpu.memref_slice %arg4[%dma_wait3A_159, %dma_wait3A_160] : memref<32768x64xf32, #tpu.memory_space<hbm>> -> memref<32768x64xf32, #tpu.memory_space<hbm>>
      tpu.wait_indirect_dma semaphore(%arg16 : memref<!tpu.dma_semaphore, #tpu.memory_space<semaphore_mem>>) src(%dma_wait3A_161 : memref<32768x64xf32, #tpu.memory_space<hbm>>) dst(%arg8 : memref<128x64xf32, #tpu.memory_space<vmem>>)
      %mul3A_162 = arith.constant 128 : i32
      %mul3A_163 = arith.muli %add3A_154, %mul3A_162 : i32
      %add3A_164 = arith.addi %mul3A_2, %mul3A_163 : i32
      %dma_start3A_165 = arith.constant 0 : i32
      %dma_start3A_166 = tpu.memref_slice %arg5[%add3A_164, %dma_start3A_165] : memref<819200x128xf32, #tpu.memory_space<hbm>> -> memref<128x64xf32, #tpu.memory_space<hbm>>
      %dma_start3A_167 = arith.constant 0 : i32
      %dma_start3A_168 = tpu.memref_slice %arg5[%add3A_164, %dma_start3A_167] : memref<819200x128xf32, #tpu.memory_space<hbm>> -> memref<128x64xf32, #tpu.memory_space<hbm>>
      tpu.enqueue_dma source(%arg8 : memref<128x64xf32, #tpu.memory_space<vmem>>) target(%dma_start3A_168 : memref<128x64xf32, #tpu.memory_space<hbm>>) target_semaphore(%arg24 : memref<!tpu.dma_semaphore, #tpu.memory_space<semaphore_mem>>)
      %mul3A_169 = arith.constant 8 : i32
      %mul3A_170 = arith.muli %while3A_145, %mul3A_169 : i32
      %add3A_171 = arith.constant 1 : i32
      %add3A_172 = arith.addi %mul3A_170, %add3A_171 : i32
      %mul3A_173 = arith.constant 0 : i32
      %mul3A_174 = arith.constant 128 : i32
      %mul3A_175 = arith.muli %mul3A_173, %mul3A_174 : i32
      %dma_wait3A_176 = tpu.memref_slice %arg7[%mul3A_175] : memref<25600xi32, #tpu.memory_space<vmem>> -> memref<128xi32, #tpu.memory_space<vmem>>
      %dma_wait3A_177 = arith.constant 0 : i32
      %dma_wait3A_178 = arith.constant 0 : i32
      %dma_wait3A_179 = tpu.memref_slice %arg4[%dma_wait3A_177, %dma_wait3A_178] : memref<32768x64xf32, #tpu.memory_space<hbm>> -> memref<32768x64xf32, #tpu.memory_space<hbm>>
      tpu.wait_indirect_dma semaphore(%arg17 : memref<!tpu.dma_semaphore, #tpu.memory_space<semaphore_mem>>) src(%dma_wait3A_179 : memref<32768x64xf32, #tpu.memory_space<hbm>>) dst(%arg9 : memref<128x64xf32, #tpu.memory_space<vmem>>)
      %mul3A_180 = arith.constant 128 : i32
      %mul3A_181 = arith.muli %add3A_172, %mul3A_180 : i32
      %add3A_182 = arith.addi %mul3A_2, %mul3A_181 : i32
      %dma_start3A_183 = arith.constant 0 : i32
      %dma_start3A_184 = tpu.memref_slice %arg5[%add3A_182, %dma_start3A_183] : memref<819200x128xf32, #tpu.memory_space<hbm>> -> memref<128x64xf32, #tpu.memory_space<hbm>>
      %dma_start3A_185 = arith.constant 0 : i32
      %dma_start3A_186 = tpu.memref_slice %arg5[%add3A_182, %dma_start3A_185] : memref<819200x128xf32, #tpu.memory_space<hbm>> -> memref<128x64xf32, #tpu.memory_space<hbm>>
      tpu.enqueue_dma source(%arg9 : memref<128x64xf32, #tpu.memory_space<vmem>>) target(%dma_start3A_186 : memref<128x64xf32, #tpu.memory_space<hbm>>) target_semaphore(%arg25 : memref<!tpu.dma_semaphore, #tpu.memory_space<semaphore_mem>>)
      %mul3A_187 = arith.constant 8 : i32
      %mul3A_188 = arith.muli %while3A_145, %mul3A_187 : i32
      %add3A_189 = arith.constant 2 : i32
      %add3A_190 = arith.addi %mul3A_188, %add3A_189 : i32
      %mul3A_191 = arith.constant 0 : i32
      %mul3A_192 = arith.constant 128 : i32
      %mul3A_193 = arith.muli %mul3A_191, %mul3A_192 : i32
      %dma_wait3A_194 = tpu.memref_slice %arg7[%mul3A_193] : memref<25600xi32, #tpu.memory_space<vmem>> -> memref<128xi32, #tpu.memory_space<vmem>>
      %dma_wait3A_195 = arith.constant 0 : i32
      %dma_wait3A_196 = arith.constant 0 : i32
      %dma_wait3A_197 = tpu.memref_slice %arg4[%dma_wait3A_195, %dma_wait3A_196] : memref<32768x64xf32, #tpu.memory_space<hbm>> -> memref<32768x64xf32, #tpu.memory_space<hbm>>
      tpu.wait_indirect_dma semaphore(%arg18 : memref<!tpu.dma_semaphore, #tpu.memory_space<semaphore_mem>>) src(%dma_wait3A_197 : memref<32768x64xf32, #tpu.memory_space<hbm>>) dst(%arg10 : memref<128x64xf32, #tpu.memory_space<vmem>>)
      %mul3A_198 = arith.constant 128 : i32
      %mul3A_199 = arith.muli %add3A_190, %mul3A_198 : i32
      %add3A_200 = arith.addi %mul3A_2, %mul3A_199 : i32
      %dma_start3A_201 = arith.constant 0 : i32
      %dma_start3A_202 = tpu.memref_slice %arg5[%add3A_200, %dma_start3A_201] : memref<819200x128xf32, #tpu.memory_space<hbm>> -> memref<128x64xf32, #tpu.memory_space<hbm>>
      %dma_start3A_203 = arith.constant 0 : i32
      %dma_start3A_204 = tpu.memref_slice %arg5[%add3A_200, %dma_start3A_203] : memref<819200x128xf32, #tpu.memory_space<hbm>> -> memref<128x64xf32, #tpu.memory_space<hbm>>
      tpu.enqueue_dma source(%arg10 : memref<128x64xf32, #tpu.memory_space<vmem>>) target(%dma_start3A_204 : memref<128x64xf32, #tpu.memory_space<hbm>>) target_semaphore(%arg26 : memref<!tpu.dma_semaphore, #tpu.memory_space<semaphore_mem>>)
      %mul3A_205 = arith.constant 8 : i32
      %mul3A_206 = arith.muli %while3A_145, %mul3A_205 : i32
      %add3A_207 = arith.constant 3 : i32
      %add3A_208 = arith.addi %mul3A_206, %add3A_207 : i32
      %mul3A_209 = arith.constant 0 : i32
      %mul3A_210 = arith.constant 128 : i32
      %mul3A_211 = arith.muli %mul3A_209, %mul3A_210 : i32
      %dma_wait3A_212 = tpu.memref_slice %arg7[%mul3A_211] : memref<25600xi32, #tpu.memory_space<vmem>> -> memref<128xi32, #tpu.memory_space<vmem>>
      %dma_wait3A_213 = arith.constant 0 : i32
      %dma_wait3A_214 = arith.constant 0 : i32
      %dma_wait3A_215 = tpu.memref_slice %arg4[%dma_wait3A_213, %dma_wait3A_214] : memref<32768x64xf32, #tpu.memory_space<hbm>> -> memref<32768x64xf32, #tpu.memory_space<hbm>>
      tpu.wait_indirect_dma semaphore(%arg19 : memref<!tpu.dma_semaphore, #tpu.memory_space<semaphore_mem>>) src(%dma_wait3A_215 : memref<32768x64xf32, #tpu.memory_space<hbm>>) dst(%arg11 : memref<128x64xf32, #tpu.memory_space<vmem>>)
      %mul3A_216 = arith.constant 128 : i32
      %mul3A_217 = arith.muli %add3A_208, %mul3A_216 : i32
      %add3A_218 = arith.addi %mul3A_2, %mul3A_217 : i32
      %dma_start3A_219 = arith.constant 0 : i32
      %dma_start3A_220 = tpu.memref_slice %arg5[%add3A_218, %dma_start3A_219] : memref<819200x128xf32, #tpu.memory_space<hbm>> -> memref<128x64xf32, #tpu.memory_space<hbm>>
      %dma_start3A_221 = arith.constant 0 : i32
      %dma_start3A_222 = tpu.memref_slice %arg5[%add3A_218, %dma_start3A_221] : memref<819200x128xf32, #tpu.memory_space<hbm>> -> memref<128x64xf32, #tpu.memory_space<hbm>>
      tpu.enqueue_dma source(%arg11 : memref<128x64xf32, #tpu.memory_space<vmem>>) target(%dma_start3A_222 : memref<128x64xf32, #tpu.memory_space<hbm>>) target_semaphore(%arg27 : memref<!tpu.dma_semaphore, #tpu.memory_space<semaphore_mem>>)
      %mul3A_223 = arith.constant 8 : i32
      %mul3A_224 = arith.muli %while3A_145, %mul3A_223 : i32
      %add3A_225 = arith.constant 4 : i32
      %add3A_226 = arith.addi %mul3A_224, %add3A_225 : i32
      %mul3A_227 = arith.constant 0 : i32
      %mul3A_228 = arith.constant 128 : i32
      %mul3A_229 = arith.muli %mul3A_227, %mul3A_228 : i32
      %dma_wait3A_230 = tpu.memref_slice %arg7[%mul3A_229] : memref<25600xi32, #tpu.memory_space<vmem>> -> memref<128xi32, #tpu.memory_space<vmem>>
      %dma_wait3A_231 = arith.constant 0 : i32
      %dma_wait3A_232 = arith.constant 0 : i32
      %dma_wait3A_233 = tpu.memref_slice %arg4[%dma_wait3A_231, %dma_wait3A_232] : memref<32768x64xf32, #tpu.memory_space<hbm>> -> memref<32768x64xf32, #tpu.memory_space<hbm>>
      tpu.wait_indirect_dma semaphore(%arg20 : memref<!tpu.dma_semaphore, #tpu.memory_space<semaphore_mem>>) src(%dma_wait3A_233 : memref<32768x64xf32, #tpu.memory_space<hbm>>) dst(%arg12 : memref<128x64xf32, #tpu.memory_space<vmem>>)
      %mul3A_234 = arith.constant 128 : i32
      %mul3A_235 = arith.muli %add3A_226, %mul3A_234 : i32
      %add3A_236 = arith.addi %mul3A_2, %mul3A_235 : i32
      %dma_start3A_237 = arith.constant 0 : i32
      %dma_start3A_238 = tpu.memref_slice %arg5[%add3A_236, %dma_start3A_237] : memref<819200x128xf32, #tpu.memory_space<hbm>> -> memref<128x64xf32, #tpu.memory_space<hbm>>
      %dma_start3A_239 = arith.constant 0 : i32
      %dma_start3A_240 = tpu.memref_slice %arg5[%add3A_236, %dma_start3A_239] : memref<819200x128xf32, #tpu.memory_space<hbm>> -> memref<128x64xf32, #tpu.memory_space<hbm>>
      tpu.enqueue_dma source(%arg12 : memref<128x64xf32, #tpu.memory_space<vmem>>) target(%dma_start3A_240 : memref<128x64xf32, #tpu.memory_space<hbm>>) target_semaphore(%arg28 : memref<!tpu.dma_semaphore, #tpu.memory_space<semaphore_mem>>)
      %mul3A_241 = arith.constant 8 : i32
      %mul3A_242 = arith.muli %while3A_145, %mul3A_241 : i32
      %add3A_243 = arith.constant 5 : i32
      %add3A_244 = arith.addi %mul3A_242, %add3A_243 : i32
      %mul3A_245 = arith.constant 0 : i32
      %mul3A_246 = arith.constant 128 : i32
      %mul3A_247 = arith.muli %mul3A_245, %mul3A_246 : i32
      %dma_wait3A_248 = tpu.memref_slice %arg7[%mul3A_247] : memref<25600xi32, #tpu.memory_space<vmem>> -> memref<128xi32, #tpu.memory_space<vmem>>
      %dma_wait3A_249 = arith.constant 0 : i32
      %dma_wait3A_250 = arith.constant 0 : i32
      %dma_wait3A_251 = tpu.memref_slice %arg4[%dma_wait3A_249, %dma_wait3A_250] : memref<32768x64xf32, #tpu.memory_space<hbm>> -> memref<32768x64xf32, #tpu.memory_space<hbm>>
      tpu.wait_indirect_dma semaphore(%arg21 : memref<!tpu.dma_semaphore, #tpu.memory_space<semaphore_mem>>) src(%dma_wait3A_251 : memref<32768x64xf32, #tpu.memory_space<hbm>>) dst(%arg13 : memref<128x64xf32, #tpu.memory_space<vmem>>)
      %mul3A_252 = arith.constant 128 : i32
      %mul3A_253 = arith.muli %add3A_244, %mul3A_252 : i32
      %add3A_254 = arith.addi %mul3A_2, %mul3A_253 : i32
      %dma_start3A_255 = arith.constant 0 : i32
      %dma_start3A_256 = tpu.memref_slice %arg5[%add3A_254, %dma_start3A_255] : memref<819200x128xf32, #tpu.memory_space<hbm>> -> memref<128x64xf32, #tpu.memory_space<hbm>>
      %dma_start3A_257 = arith.constant 0 : i32
      %dma_start3A_258 = tpu.memref_slice %arg5[%add3A_254, %dma_start3A_257] : memref<819200x128xf32, #tpu.memory_space<hbm>> -> memref<128x64xf32, #tpu.memory_space<hbm>>
      tpu.enqueue_dma source(%arg13 : memref<128x64xf32, #tpu.memory_space<vmem>>) target(%dma_start3A_258 : memref<128x64xf32, #tpu.memory_space<hbm>>) target_semaphore(%arg29 : memref<!tpu.dma_semaphore, #tpu.memory_space<semaphore_mem>>)
      %mul3A_259 = arith.constant 8 : i32
      %mul3A_260 = arith.muli %while3A_145, %mul3A_259 : i32
      %add3A_261 = arith.constant 6 : i32
      %add3A_262 = arith.addi %mul3A_260, %add3A_261 : i32
      %mul3A_263 = arith.constant 0 : i32
      %mul3A_264 = arith.constant 128 : i32
      %mul3A_265 = arith.muli %mul3A_263, %mul3A_264 : i32
      %dma_wait3A_266 = tpu.memref_slice %arg7[%mul3A_265] : memref<25600xi32, #tpu.memory_space<vmem>> -> memref<128xi32, #tpu.memory_space<vmem>>
      %dma_wait3A_267 = arith.constant 0 : i32
      %dma_wait3A_268 = arith.constant 0 : i32
      %dma_wait3A_269 = tpu.memref_slice %arg4[%dma_wait3A_267, %dma_wait3A_268] : memref<32768x64xf32, #tpu.memory_space<hbm>> -> memref<32768x64xf32, #tpu.memory_space<hbm>>
      tpu.wait_indirect_dma semaphore(%arg22 : memref<!tpu.dma_semaphore, #tpu.memory_space<semaphore_mem>>) src(%dma_wait3A_269 : memref<32768x64xf32, #tpu.memory_space<hbm>>) dst(%arg14 : memref<128x64xf32, #tpu.memory_space<vmem>>)
      %mul3A_270 = arith.constant 128 : i32
      %mul3A_271 = arith.muli %add3A_262, %mul3A_270 : i32
      %add3A_272 = arith.addi %mul3A_2, %mul3A_271 : i32
      %dma_start3A_273 = arith.constant 0 : i32
      %dma_start3A_274 = tpu.memref_slice %arg5[%add3A_272, %dma_start3A_273] : memref<819200x128xf32, #tpu.memory_space<hbm>> -> memref<128x64xf32, #tpu.memory_space<hbm>>
      %dma_start3A_275 = arith.constant 0 : i32
      %dma_start3A_276 = tpu.memref_slice %arg5[%add3A_272, %dma_start3A_275] : memref<819200x128xf32, #tpu.memory_space<hbm>> -> memref<128x64xf32, #tpu.memory_space<hbm>>
      tpu.enqueue_dma source(%arg14 : memref<128x64xf32, #tpu.memory_space<vmem>>) target(%dma_start3A_276 : memref<128x64xf32, #tpu.memory_space<hbm>>) target_semaphore(%arg30 : memref<!tpu.dma_semaphore, #tpu.memory_space<semaphore_mem>>)
      %mul3A_277 = arith.constant 8 : i32
      %mul3A_278 = arith.muli %while3A_145, %mul3A_277 : i32
      %add3A_279 = arith.constant 7 : i32
      %add3A_280 = arith.addi %mul3A_278, %add3A_279 : i32
      %mul3A_281 = arith.constant 0 : i32
      %mul3A_282 = arith.constant 128 : i32
      %mul3A_283 = arith.muli %mul3A_281, %mul3A_282 : i32
      %dma_wait3A_284 = tpu.memref_slice %arg7[%mul3A_283] : memref<25600xi32, #tpu.memory_space<vmem>> -> memref<128xi32, #tpu.memory_space<vmem>>
      %dma_wait3A_285 = arith.constant 0 : i32
      %dma_wait3A_286 = arith.constant 0 : i32
      %dma_wait3A_287 = tpu.memref_slice %arg4[%dma_wait3A_285, %dma_wait3A_286] : memref<32768x64xf32, #tpu.memory_space<hbm>> -> memref<32768x64xf32, #tpu.memory_space<hbm>>
      tpu.wait_indirect_dma semaphore(%arg23 : memref<!tpu.dma_semaphore, #tpu.memory_space<semaphore_mem>>) src(%dma_wait3A_287 : memref<32768x64xf32, #tpu.memory_space<hbm>>) dst(%arg15 : memref<128x64xf32, #tpu.memory_space<vmem>>)
      %mul3A_288 = arith.constant 128 : i32
      %mul3A_289 = arith.muli %add3A_280, %mul3A_288 : i32
      %add3A_290 = arith.addi %mul3A_2, %mul3A_289 : i32
      %dma_start3A_291 = arith.constant 0 : i32
      %dma_start3A_292 = tpu.memref_slice %arg5[%add3A_290, %dma_start3A_291] : memref<819200x128xf32, #tpu.memory_space<hbm>> -> memref<128x64xf32, #tpu.memory_space<hbm>>
      %dma_start3A_293 = arith.constant 0 : i32
      %dma_start3A_294 = tpu.memref_slice %arg5[%add3A_290, %dma_start3A_293] : memref<819200x128xf32, #tpu.memory_space<hbm>> -> memref<128x64xf32, #tpu.memory_space<hbm>>
      tpu.enqueue_dma source(%arg15 : memref<128x64xf32, #tpu.memory_space<vmem>>) target(%dma_start3A_294 : memref<128x64xf32, #tpu.memory_space<hbm>>) target_semaphore(%arg31 : memref<!tpu.dma_semaphore, #tpu.memory_space<semaphore_mem>>)
      %add3A_295 = arith.constant 1 : i32
      %add3A_296 = arith.addi %while3A_145, %add3A_295 : i32
      %mul3A_297 = arith.constant 8 : i32
      %mul3A_298 = arith.muli %add3A_296, %mul3A_297 : i32
      %add3A_299 = arith.constant 0 : i32
      %add3A_300 = arith.addi %mul3A_298, %add3A_299 : i32
      %min3A = arith.constant 199 : i32
      %min3A_301 = arith.minsi %add3A_300, %min3A : i32
      %dma_wait3A_302 = arith.constant 0 : i32
      %dma_wait3A_303 = tpu.memref_slice %arg5[%mul3A_2, %dma_wait3A_302] : memref<819200x128xf32, #tpu.memory_space<hbm>> -> memref<128x64xf32, #tpu.memory_space<hbm>>
      %dma_wait3A_304 = arith.constant 0 : i32
      %dma_wait3A_305 = tpu.memref_slice %arg5[%mul3A_2, %dma_wait3A_304] : memref<819200x128xf32, #tpu.memory_space<hbm>> -> memref<128x64xf32, #tpu.memory_space<hbm>>
      tpu.wait_dma2 semaphore(%arg24 : memref<!tpu.dma_semaphore, #tpu.memory_space<semaphore_mem>>) src(%arg8 : memref<128x64xf32, #tpu.memory_space<vmem>>) dst(%dma_wait3A_305 : memref<128x64xf32, #tpu.memory_space<hbm>>)
      %mul3A_306 = arith.constant 128 : i32
      %mul3A_307 = arith.muli %min3A_301, %mul3A_306 : i32
      %dma_start3A_308 = tpu.memref_slice %arg7[%mul3A_307] : memref<25600xi32, #tpu.memory_space<vmem>> -> memref<128xi32, #tpu.memory_space<vmem>>
      %dma_start3A_309 = arith.constant 0 : i32
      %dma_start3A_310 = arith.constant 0 : i32
      %dma_start3A_311 = tpu.memref_slice %arg4[%dma_start3A_309, %dma_start3A_310] : memref<32768x64xf32, #tpu.memory_space<hbm>> -> memref<32768x64xf32, #tpu.memory_space<hbm>>
      tpu.enqueue_indirect_dma source(%dma_start3A_311 : memref<32768x64xf32, #tpu.memory_space<hbm>>) target(%arg8 : memref<128x64xf32, #tpu.memory_space<vmem>>) offsets(%dma_start3A_308 : memref<128xi32, #tpu.memory_space<vmem>>) semaphore(%arg16 : memref<!tpu.dma_semaphore, #tpu.memory_space<semaphore_mem>>)
      %add3A_312 = arith.constant 1 : i32
      %add3A_313 = arith.addi %while3A_145, %add3A_312 : i32
      %mul3A_314 = arith.constant 8 : i32
      %mul3A_315 = arith.muli %add3A_313, %mul3A_314 : i32
      %add3A_316 = arith.constant 1 : i32
      %add3A_317 = arith.addi %mul3A_315, %add3A_316 : i32
      %min3A_318 = arith.constant 199 : i32
      %min3A_319 = arith.minsi %add3A_317, %min3A_318 : i32
      %dma_wait3A_320 = arith.constant 0 : i32
      %dma_wait3A_321 = tpu.memref_slice %arg5[%mul3A_2, %dma_wait3A_320] : memref<819200x128xf32, #tpu.memory_space<hbm>> -> memref<128x64xf32, #tpu.memory_space<hbm>>
      %dma_wait3A_322 = arith.constant 0 : i32
      %dma_wait3A_323 = tpu.memref_slice %arg5[%mul3A_2, %dma_wait3A_322] : memref<819200x128xf32, #tpu.memory_space<hbm>> -> memref<128x64xf32, #tpu.memory_space<hbm>>
      tpu.wait_dma2 semaphore(%arg25 : memref<!tpu.dma_semaphore, #tpu.memory_space<semaphore_mem>>) src(%arg9 : memref<128x64xf32, #tpu.memory_space<vmem>>) dst(%dma_wait3A_323 : memref<128x64xf32, #tpu.memory_space<hbm>>)
      %mul3A_324 = arith.constant 128 : i32
      %mul3A_325 = arith.muli %min3A_319, %mul3A_324 : i32
      %dma_start3A_326 = tpu.memref_slice %arg7[%mul3A_325] : memref<25600xi32, #tpu.memory_space<vmem>> -> memref<128xi32, #tpu.memory_space<vmem>>
      %dma_start3A_327 = arith.constant 0 : i32
      %dma_start3A_328 = arith.constant 0 : i32
      %dma_start3A_329 = tpu.memref_slice %arg4[%dma_start3A_327, %dma_start3A_328] : memref<32768x64xf32, #tpu.memory_space<hbm>> -> memref<32768x64xf32, #tpu.memory_space<hbm>>
      tpu.enqueue_indirect_dma source(%dma_start3A_329 : memref<32768x64xf32, #tpu.memory_space<hbm>>) target(%arg9 : memref<128x64xf32, #tpu.memory_space<vmem>>) offsets(%dma_start3A_326 : memref<128xi32, #tpu.memory_space<vmem>>) semaphore(%arg17 : memref<!tpu.dma_semaphore, #tpu.memory_space<semaphore_mem>>)
      %add3A_330 = arith.constant 1 : i32
      %add3A_331 = arith.addi %while3A_145, %add3A_330 : i32
      %mul3A_332 = arith.constant 8 : i32
      %mul3A_333 = arith.muli %add3A_331, %mul3A_332 : i32
      %add3A_334 = arith.constant 2 : i32
      %add3A_335 = arith.addi %mul3A_333, %add3A_334 : i32
      %min3A_336 = arith.constant 199 : i32
      %min3A_337 = arith.minsi %add3A_335, %min3A_336 : i32
      %dma_wait3A_338 = arith.constant 0 : i32
      %dma_wait3A_339 = tpu.memref_slice %arg5[%mul3A_2, %dma_wait3A_338] : memref<819200x128xf32, #tpu.memory_space<hbm>> -> memref<128x64xf32, #tpu.memory_space<hbm>>
      %dma_wait3A_340 = arith.constant 0 : i32
      %dma_wait3A_341 = tpu.memref_slice %arg5[%mul3A_2, %dma_wait3A_340] : memref<819200x128xf32, #tpu.memory_space<hbm>> -> memref<128x64xf32, #tpu.memory_space<hbm>>
      tpu.wait_dma2 semaphore(%arg26 : memref<!tpu.dma_semaphore, #tpu.memory_space<semaphore_mem>>) src(%arg10 : memref<128x64xf32, #tpu.memory_space<vmem>>) dst(%dma_wait3A_341 : memref<128x64xf32, #tpu.memory_space<hbm>>)
      %mul3A_342 = arith.constant 128 : i32
      %mul3A_343 = arith.muli %min3A_337, %mul3A_342 : i32
      %dma_start3A_344 = tpu.memref_slice %arg7[%mul3A_343] : memref<25600xi32, #tpu.memory_space<vmem>> -> memref<128xi32, #tpu.memory_space<vmem>>
      %dma_start3A_345 = arith.constant 0 : i32
      %dma_start3A_346 = arith.constant 0 : i32
      %dma_start3A_347 = tpu.memref_slice %arg4[%dma_start3A_345, %dma_start3A_346] : memref<32768x64xf32, #tpu.memory_space<hbm>> -> memref<32768x64xf32, #tpu.memory_space<hbm>>
      tpu.enqueue_indirect_dma source(%dma_start3A_347 : memref<32768x64xf32, #tpu.memory_space<hbm>>) target(%arg10 : memref<128x64xf32, #tpu.memory_space<vmem>>) offsets(%dma_start3A_344 : memref<128xi32, #tpu.memory_space<vmem>>) semaphore(%arg18 : memref<!tpu.dma_semaphore, #tpu.memory_space<semaphore_mem>>)
      %add3A_348 = arith.constant 1 : i32
      %add3A_349 = arith.addi %while3A_145, %add3A_348 : i32
      %mul3A_350 = arith.constant 8 : i32
      %mul3A_351 = arith.muli %add3A_349, %mul3A_350 : i32
      %add3A_352 = arith.constant 3 : i32
      %add3A_353 = arith.addi %mul3A_351, %add3A_352 : i32
      %min3A_354 = arith.constant 199 : i32
      %min3A_355 = arith.minsi %add3A_353, %min3A_354 : i32
      %dma_wait3A_356 = arith.constant 0 : i32
      %dma_wait3A_357 = tpu.memref_slice %arg5[%mul3A_2, %dma_wait3A_356] : memref<819200x128xf32, #tpu.memory_space<hbm>> -> memref<128x64xf32, #tpu.memory_space<hbm>>
      %dma_wait3A_358 = arith.constant 0 : i32
      %dma_wait3A_359 = tpu.memref_slice %arg5[%mul3A_2, %dma_wait3A_358] : memref<819200x128xf32, #tpu.memory_space<hbm>> -> memref<128x64xf32, #tpu.memory_space<hbm>>
      tpu.wait_dma2 semaphore(%arg27 : memref<!tpu.dma_semaphore, #tpu.memory_space<semaphore_mem>>) src(%arg11 : memref<128x64xf32, #tpu.memory_space<vmem>>) dst(%dma_wait3A_359 : memref<128x64xf32, #tpu.memory_space<hbm>>)
      %mul3A_360 = arith.constant 128 : i32
      %mul3A_361 = arith.muli %min3A_355, %mul3A_360 : i32
      %dma_start3A_362 = tpu.memref_slice %arg7[%mul3A_361] : memref<25600xi32, #tpu.memory_space<vmem>> -> memref<128xi32, #tpu.memory_space<vmem>>
      %dma_start3A_363 = arith.constant 0 : i32
      %dma_start3A_364 = arith.constant 0 : i32
      %dma_start3A_365 = tpu.memref_slice %arg4[%dma_start3A_363, %dma_start3A_364] : memref<32768x64xf32, #tpu.memory_space<hbm>> -> memref<32768x64xf32, #tpu.memory_space<hbm>>
      tpu.enqueue_indirect_dma source(%dma_start3A_365 : memref<32768x64xf32, #tpu.memory_space<hbm>>) target(%arg11 : memref<128x64xf32, #tpu.memory_space<vmem>>) offsets(%dma_start3A_362 : memref<128xi32, #tpu.memory_space<vmem>>) semaphore(%arg19 : memref<!tpu.dma_semaphore, #tpu.memory_space<semaphore_mem>>)
      %add3A_366 = arith.constant 1 : i32
      %add3A_367 = arith.addi %while3A_145, %add3A_366 : i32
      %mul3A_368 = arith.constant 8 : i32
      %mul3A_369 = arith.muli %add3A_367, %mul3A_368 : i32
      %add3A_370 = arith.constant 4 : i32
      %add3A_371 = arith.addi %mul3A_369, %add3A_370 : i32
      %min3A_372 = arith.constant 199 : i32
      %min3A_373 = arith.minsi %add3A_371, %min3A_372 : i32
      %dma_wait3A_374 = arith.constant 0 : i32
      %dma_wait3A_375 = tpu.memref_slice %arg5[%mul3A_2, %dma_wait3A_374] : memref<819200x128xf32, #tpu.memory_space<hbm>> -> memref<128x64xf32, #tpu.memory_space<hbm>>
      %dma_wait3A_376 = arith.constant 0 : i32
      %dma_wait3A_377 = tpu.memref_slice %arg5[%mul3A_2, %dma_wait3A_376] : memref<819200x128xf32, #tpu.memory_space<hbm>> -> memref<128x64xf32, #tpu.memory_space<hbm>>
      tpu.wait_dma2 semaphore(%arg28 : memref<!tpu.dma_semaphore, #tpu.memory_space<semaphore_mem>>) src(%arg12 : memref<128x64xf32, #tpu.memory_space<vmem>>) dst(%dma_wait3A_377 : memref<128x64xf32, #tpu.memory_space<hbm>>)
      %mul3A_378 = arith.constant 128 : i32
      %mul3A_379 = arith.muli %min3A_373, %mul3A_378 : i32
      %dma_start3A_380 = tpu.memref_slice %arg7[%mul3A_379] : memref<25600xi32, #tpu.memory_space<vmem>> -> memref<128xi32, #tpu.memory_space<vmem>>
      %dma_start3A_381 = arith.constant 0 : i32
      %dma_start3A_382 = arith.constant 0 : i32
      %dma_start3A_383 = tpu.memref_slice %arg4[%dma_start3A_381, %dma_start3A_382] : memref<32768x64xf32, #tpu.memory_space<hbm>> -> memref<32768x64xf32, #tpu.memory_space<hbm>>
      tpu.enqueue_indirect_dma source(%dma_start3A_383 : memref<32768x64xf32, #tpu.memory_space<hbm>>) target(%arg12 : memref<128x64xf32, #tpu.memory_space<vmem>>) offsets(%dma_start3A_380 : memref<128xi32, #tpu.memory_space<vmem>>) semaphore(%arg20 : memref<!tpu.dma_semaphore, #tpu.memory_space<semaphore_mem>>)
      %add3A_384 = arith.constant 1 : i32
      %add3A_385 = arith.addi %while3A_145, %add3A_384 : i32
      %mul3A_386 = arith.constant 8 : i32
      %mul3A_387 = arith.muli %add3A_385, %mul3A_386 : i32
      %add3A_388 = arith.constant 5 : i32
      %add3A_389 = arith.addi %mul3A_387, %add3A_388 : i32
      %min3A_390 = arith.constant 199 : i32
      %min3A_391 = arith.minsi %add3A_389, %min3A_390 : i32
      %dma_wait3A_392 = arith.constant 0 : i32
      %dma_wait3A_393 = tpu.memref_slice %arg5[%mul3A_2, %dma_wait3A_392] : memref<819200x128xf32, #tpu.memory_space<hbm>> -> memref<128x64xf32, #tpu.memory_space<hbm>>
      %dma_wait3A_394 = arith.constant 0 : i32
      %dma_wait3A_395 = tpu.memref_slice %arg5[%mul3A_2, %dma_wait3A_394] : memref<819200x128xf32, #tpu.memory_space<hbm>> -> memref<128x64xf32, #tpu.memory_space<hbm>>
      tpu.wait_dma2 semaphore(%arg29 : memref<!tpu.dma_semaphore, #tpu.memory_space<semaphore_mem>>) src(%arg13 : memref<128x64xf32, #tpu.memory_space<vmem>>) dst(%dma_wait3A_395 : memref<128x64xf32, #tpu.memory_space<hbm>>)
      %mul3A_396 = arith.constant 128 : i32
      %mul3A_397 = arith.muli %min3A_391, %mul3A_396 : i32
      %dma_start3A_398 = tpu.memref_slice %arg7[%mul3A_397] : memref<25600xi32, #tpu.memory_space<vmem>> -> memref<128xi32, #tpu.memory_space<vmem>>
      %dma_start3A_399 = arith.constant 0 : i32
      %dma_start3A_400 = arith.constant 0 : i32
      %dma_start3A_401 = tpu.memref_slice %arg4[%dma_start3A_399, %dma_start3A_400] : memref<32768x64xf32, #tpu.memory_space<hbm>> -> memref<32768x64xf32, #tpu.memory_space<hbm>>
      tpu.enqueue_indirect_dma source(%dma_start3A_401 : memref<32768x64xf32, #tpu.memory_space<hbm>>) target(%arg13 : memref<128x64xf32, #tpu.memory_space<vmem>>) offsets(%dma_start3A_398 : memref<128xi32, #tpu.memory_space<vmem>>) semaphore(%arg21 : memref<!tpu.dma_semaphore, #tpu.memory_space<semaphore_mem>>)
      %add3A_402 = arith.constant 1 : i32
      %add3A_403 = arith.addi %while3A_145, %add3A_402 : i32
      %mul3A_404 = arith.constant 8 : i32
      %mul3A_405 = arith.muli %add3A_403, %mul3A_404 : i32
      %add3A_406 = arith.constant 6 : i32
      %add3A_407 = arith.addi %mul3A_405, %add3A_406 : i32
      %min3A_408 = arith.constant 199 : i32
      %min3A_409 = arith.minsi %add3A_407, %min3A_408 : i32
      %dma_wait3A_410 = arith.constant 0 : i32
      %dma_wait3A_411 = tpu.memref_slice %arg5[%mul3A_2, %dma_wait3A_410] : memref<819200x128xf32, #tpu.memory_space<hbm>> -> memref<128x64xf32, #tpu.memory_space<hbm>>
      %dma_wait3A_412 = arith.constant 0 : i32
      %dma_wait3A_413 = tpu.memref_slice %arg5[%mul3A_2, %dma_wait3A_412] : memref<819200x128xf32, #tpu.memory_space<hbm>> -> memref<128x64xf32, #tpu.memory_space<hbm>>
      tpu.wait_dma2 semaphore(%arg30 : memref<!tpu.dma_semaphore, #tpu.memory_space<semaphore_mem>>) src(%arg14 : memref<128x64xf32, #tpu.memory_space<vmem>>) dst(%dma_wait3A_413 : memref<128x64xf32, #tpu.memory_space<hbm>>)
      %mul3A_414 = arith.constant 128 : i32
      %mul3A_415 = arith.muli %min3A_409, %mul3A_414 : i32
      %dma_start3A_416 = tpu.memref_slice %arg7[%mul3A_415] : memref<25600xi32, #tpu.memory_space<vmem>> -> memref<128xi32, #tpu.memory_space<vmem>>
      %dma_start3A_417 = arith.constant 0 : i32
      %dma_start3A_418 = arith.constant 0 : i32
      %dma_start3A_419 = tpu.memref_slice %arg4[%dma_start3A_417, %dma_start3A_418] : memref<32768x64xf32, #tpu.memory_space<hbm>> -> memref<32768x64xf32, #tpu.memory_space<hbm>>
      tpu.enqueue_indirect_dma source(%dma_start3A_419 : memref<32768x64xf32, #tpu.memory_space<hbm>>) target(%arg14 : memref<128x64xf32, #tpu.memory_space<vmem>>) offsets(%dma_start3A_416 : memref<128xi32, #tpu.memory_space<vmem>>) semaphore(%arg22 : memref<!tpu.dma_semaphore, #tpu.memory_space<semaphore_mem>>)
      %add3A_420 = arith.constant 1 : i32
      %add3A_421 = arith.addi %while3A_145, %add3A_420 : i32
      %mul3A_422 = arith.constant 8 : i32
      %mul3A_423 = arith.muli %add3A_421, %mul3A_422 : i32
      %add3A_424 = arith.constant 7 : i32
      %add3A_425 = arith.addi %mul3A_423, %add3A_424 : i32
      %min3A_426 = arith.constant 199 : i32
      %min3A_427 = arith.minsi %add3A_425, %min3A_426 : i32
      %dma_wait3A_428 = arith.constant 0 : i32
      %dma_wait3A_429 = tpu.memref_slice %arg5[%mul3A_2, %dma_wait3A_428] : memref<819200x128xf32, #tpu.memory_space<hbm>> -> memref<128x64xf32, #tpu.memory_space<hbm>>
      %dma_wait3A_430 = arith.constant 0 : i32
      %dma_wait3A_431 = tpu.memref_slice %arg5[%mul3A_2, %dma_wait3A_430] : memref<819200x128xf32, #tpu.memory_space<hbm>> -> memref<128x64xf32, #tpu.memory_space<hbm>>
      tpu.wait_dma2 semaphore(%arg31 : memref<!tpu.dma_semaphore, #tpu.memory_space<semaphore_mem>>) src(%arg15 : memref<128x64xf32, #tpu.memory_space<vmem>>) dst(%dma_wait3A_431 : memref<128x64xf32, #tpu.memory_space<hbm>>)
      %mul3A_432 = arith.constant 128 : i32
      %mul3A_433 = arith.muli %min3A_427, %mul3A_432 : i32
      %dma_start3A_434 = tpu.memref_slice %arg7[%mul3A_433] : memref<25600xi32, #tpu.memory_space<vmem>> -> memref<128xi32, #tpu.memory_space<vmem>>
      %dma_start3A_435 = arith.constant 0 : i32
      %dma_start3A_436 = arith.constant 0 : i32
      %dma_start3A_437 = tpu.memref_slice %arg4[%dma_start3A_435, %dma_start3A_436] : memref<32768x64xf32, #tpu.memory_space<hbm>> -> memref<32768x64xf32, #tpu.memory_space<hbm>>
      tpu.enqueue_indirect_dma source(%dma_start3A_437 : memref<32768x64xf32, #tpu.memory_space<hbm>>) target(%arg15 : memref<128x64xf32, #tpu.memory_space<vmem>>) offsets(%dma_start3A_434 : memref<128xi32, #tpu.memory_space<vmem>>) semaphore(%arg23 : memref<!tpu.dma_semaphore, #tpu.memory_space<semaphore_mem>>)
    }
    %mul3A_90 = arith.constant 0 : i32
    %mul3A_91 = arith.constant 128 : i32
    %mul3A_92 = arith.muli %mul3A_90, %mul3A_91 : i32
    %dma_wait3A = tpu.memref_slice %arg7[%mul3A_92] : memref<25600xi32, #tpu.memory_space<vmem>> -> memref<128xi32, #tpu.memory_space<vmem>>
    %dma_wait3A_93 = arith.constant 0 : i32
    %dma_wait3A_94 = arith.constant 0 : i32
    %dma_wait3A_95 = tpu.memref_slice %arg4[%dma_wait3A_93, %dma_wait3A_94] : memref<32768x64xf32, #tpu.memory_space<hbm>> -> memref<32768x64xf32, #tpu.memory_space<hbm>>
    tpu.wait_indirect_dma semaphore(%arg16 : memref<!tpu.dma_semaphore, #tpu.memory_space<semaphore_mem>>) src(%dma_wait3A_95 : memref<32768x64xf32, #tpu.memory_space<hbm>>) dst(%arg8 : memref<128x64xf32, #tpu.memory_space<vmem>>)
    %mul3A_96 = arith.constant 0 : i32
    %mul3A_97 = arith.constant 128 : i32
    %mul3A_98 = arith.muli %mul3A_96, %mul3A_97 : i32
    %dma_wait3A_99 = tpu.memref_slice %arg7[%mul3A_98] : memref<25600xi32, #tpu.memory_space<vmem>> -> memref<128xi32, #tpu.memory_space<vmem>>
    %dma_wait3A_100 = arith.constant 0 : i32
    %dma_wait3A_101 = arith.constant 0 : i32
    %dma_wait3A_102 = tpu.memref_slice %arg4[%dma_wait3A_100, %dma_wait3A_101] : memref<32768x64xf32, #tpu.memory_space<hbm>> -> memref<32768x64xf32, #tpu.memory_space<hbm>>
    tpu.wait_indirect_dma semaphore(%arg17 : memref<!tpu.dma_semaphore, #tpu.memory_space<semaphore_mem>>) src(%dma_wait3A_102 : memref<32768x64xf32, #tpu.memory_space<hbm>>) dst(%arg9 : memref<128x64xf32, #tpu.memory_space<vmem>>)
    %mul3A_103 = arith.constant 0 : i32
    %mul3A_104 = arith.constant 128 : i32
    %mul3A_105 = arith.muli %mul3A_103, %mul3A_104 : i32
    %dma_wait3A_106 = tpu.memref_slice %arg7[%mul3A_105] : memref<25600xi32, #tpu.memory_space<vmem>> -> memref<128xi32, #tpu.memory_space<vmem>>
    %dma_wait3A_107 = arith.constant 0 : i32
    %dma_wait3A_108 = arith.constant 0 : i32
    %dma_wait3A_109 = tpu.memref_slice %arg4[%dma_wait3A_107, %dma_wait3A_108] : memref<32768x64xf32, #tpu.memory_space<hbm>> -> memref<32768x64xf32, #tpu.memory_space<hbm>>
    tpu.wait_indirect_dma semaphore(%arg18 : memref<!tpu.dma_semaphore, #tpu.memory_space<semaphore_mem>>) src(%dma_wait3A_109 : memref<32768x64xf32, #tpu.memory_space<hbm>>) dst(%arg10 : memref<128x64xf32, #tpu.memory_space<vmem>>)
    %mul3A_110 = arith.constant 0 : i32
    %mul3A_111 = arith.constant 128 : i32
    %mul3A_112 = arith.muli %mul3A_110, %mul3A_111 : i32
    %dma_wait3A_113 = tpu.memref_slice %arg7[%mul3A_112] : memref<25600xi32, #tpu.memory_space<vmem>> -> memref<128xi32, #tpu.memory_space<vmem>>
    %dma_wait3A_114 = arith.constant 0 : i32
    %dma_wait3A_115 = arith.constant 0 : i32
    %dma_wait3A_116 = tpu.memref_slice %arg4[%dma_wait3A_114, %dma_wait3A_115] : memref<32768x64xf32, #tpu.memory_space<hbm>> -> memref<32768x64xf32, #tpu.memory_space<hbm>>
    tpu.wait_indirect_dma semaphore(%arg19 : memref<!tpu.dma_semaphore, #tpu.memory_space<semaphore_mem>>) src(%dma_wait3A_116 : memref<32768x64xf32, #tpu.memory_space<hbm>>) dst(%arg11 : memref<128x64xf32, #tpu.memory_space<vmem>>)
    %mul3A_117 = arith.constant 0 : i32
    %mul3A_118 = arith.constant 128 : i32
    %mul3A_119 = arith.muli %mul3A_117, %mul3A_118 : i32
    %dma_wait3A_120 = tpu.memref_slice %arg7[%mul3A_119] : memref<25600xi32, #tpu.memory_space<vmem>> -> memref<128xi32, #tpu.memory_space<vmem>>
    %dma_wait3A_121 = arith.constant 0 : i32
    %dma_wait3A_122 = arith.constant 0 : i32
    %dma_wait3A_123 = tpu.memref_slice %arg4[%dma_wait3A_121, %dma_wait3A_122] : memref<32768x64xf32, #tpu.memory_space<hbm>> -> memref<32768x64xf32, #tpu.memory_space<hbm>>
    tpu.wait_indirect_dma semaphore(%arg20 : memref<!tpu.dma_semaphore, #tpu.memory_space<semaphore_mem>>) src(%dma_wait3A_123 : memref<32768x64xf32, #tpu.memory_space<hbm>>) dst(%arg12 : memref<128x64xf32, #tpu.memory_space<vmem>>)
    %mul3A_124 = arith.constant 0 : i32
    %mul3A_125 = arith.constant 128 : i32
    %mul3A_126 = arith.muli %mul3A_124, %mul3A_125 : i32
    %dma_wait3A_127 = tpu.memref_slice %arg7[%mul3A_126] : memref<25600xi32, #tpu.memory_space<vmem>> -> memref<128xi32, #tpu.memory_space<vmem>>
    %dma_wait3A_128 = arith.constant 0 : i32
    %dma_wait3A_129 = arith.constant 0 : i32
    %dma_wait3A_130 = tpu.memref_slice %arg4[%dma_wait3A_128, %dma_wait3A_129] : memref<32768x64xf32, #tpu.memory_space<hbm>> -> memref<32768x64xf32, #tpu.memory_space<hbm>>
    tpu.wait_indirect_dma semaphore(%arg21 : memref<!tpu.dma_semaphore, #tpu.memory_space<semaphore_mem>>) src(%dma_wait3A_130 : memref<32768x64xf32, #tpu.memory_space<hbm>>) dst(%arg13 : memref<128x64xf32, #tpu.memory_space<vmem>>)
    %mul3A_131 = arith.constant 0 : i32
    %mul3A_132 = arith.constant 128 : i32
    %mul3A_133 = arith.muli %mul3A_131, %mul3A_132 : i32
    %dma_wait3A_134 = tpu.memref_slice %arg7[%mul3A_133] : memref<25600xi32, #tpu.memory_space<vmem>> -> memref<128xi32, #tpu.memory_space<vmem>>
    %dma_wait3A_135 = arith.constant 0 : i32
    %dma_wait3A_136 = arith.constant 0 : i32
    %dma_wait3A_137 = tpu.memref_slice %arg4[%dma_wait3A_135, %dma_wait3A_136] : memref<32768x64xf32, #tpu.memory_space<hbm>> -> memref<32768x64xf32, #tpu.memory_space<hbm>>
    tpu.wait_indirect_dma semaphore(%arg22 : memref<!tpu.dma_semaphore, #tpu.memory_space<semaphore_mem>>) src(%dma_wait3A_137 : memref<32768x64xf32, #tpu.memory_space<hbm>>) dst(%arg14 : memref<128x64xf32, #tpu.memory_space<vmem>>)
    %mul3A_138 = arith.constant 0 : i32
    %mul3A_139 = arith.constant 128 : i32
    %mul3A_140 = arith.muli %mul3A_138, %mul3A_139 : i32
    %dma_wait3A_141 = tpu.memref_slice %arg7[%mul3A_140] : memref<25600xi32, #tpu.memory_space<vmem>> -> memref<128xi32, #tpu.memory_space<vmem>>
    %dma_wait3A_142 = arith.constant 0 : i32
    %dma_wait3A_143 = arith.constant 0 : i32
    %dma_wait3A_144 = tpu.memref_slice %arg4[%dma_wait3A_142, %dma_wait3A_143] : memref<32768x64xf32, #tpu.memory_space<hbm>> -> memref<32768x64xf32, #tpu.memory_space<hbm>>
    tpu.wait_indirect_dma semaphore(%arg23 : memref<!tpu.dma_semaphore, #tpu.memory_space<semaphore_mem>>) src(%dma_wait3A_144 : memref<32768x64xf32, #tpu.memory_space<hbm>>) dst(%arg15 : memref<128x64xf32, #tpu.memory_space<vmem>>)
    return
  }
}

</mosaic_0001>

<sc_bundles>
// kernel: _sc_lookup.3.cloned.1.call-start
scs
__scs_entry_jumppad:
0x0: {  	(pc) =	sbr.rel $0x88, $3  }
0x1: {  	(tag) =	ssettag $0x0;
	lr =	simm.s32 $0x1  }
0x2: {  	[smem:$0x3F9E] =	sst lr;
	_ =	strace $0xD0000000  }
0x3: {  	_ = 	snop  }
0x4: {  	_ = 	snop  }
0x5: {  	_ = 	snop  }
0x6: {  	_ = 	snop  }
0x7: {  	_ = 	snop  }
__scs_overlays_trampoline_lowered:
0x8: {  	[smem:$0x3FAD] =	sst s0  }
0x9: {  	[smem:$0x3FAE] =	sst s1  }
0xa: {  	[smem:$0x3FAF] =	sst s2  }
0xb: {  	[smem:$0x3FB0] =	sst s3  }
0xc: {  	[smem:$0x3FB1] =	sst s4  }
0xd: {  	[smem:$0x3FB2] =	sst s5  }
0xe: {  	[smem:$0x3FB3] =	sst s6  }
0xf: {  	[smem:$0x3FB4] =	sst s7  }
0x10: {  	[smem:$0x3FB5] =	sst s8  }
0x11: {  	[smem:$0x3FB6] =	sst s9;
	s0 =	simm.s32 @!p0 $0x0  }
0x12: {  	s1 =	sld [smem:$0x3F9C];
	s0 =	simm.s32 @p0 $0x1  }
0x13: {  	[smem:$0x3FB7] =	sst s0;
	s0 =	simm.s32 @!p1 $0x0  }
0x14: {  	s2 =	sld [smem:$0x3F9B];
	s0 =	simm.s32 @p1 $0x1  }
0x15: {  	[smem:$0x3FB8] =	sst s0;
	s0 =	simm.s32 @!p2 $0x0  }
0x16: {  	s3 =	sld [smem:$0x3FDB];
	s0 =	simm.s32 @p2 $0x1  }
0x17: {  	s4 =	simm.s32 $0x1BF5;
	[smem:$0x3FBA] =	sst s0  }
0x18: {  	s0 =	sld [smem:$0x3F9D];
	_ =	swait.ge [sflag:s4], $0x0  }
0x19: {  	s7 =	sld [smem:$0x3F9E]  }
0x1a: {  	s8 =	sadd.s32 $0xFFFFE003, lr  }
0x1b: {  	s9 =	sadd.s32 $0xFFFFFEF7, lr;
	s5 =	simm.s32 $0xFFFFFFFF;
	p2 =	slt.u32 s8, $0xFFFFF086  }
0x1c: {  	p1 =	slt.u32 s9, $0xF7A;
	s5 =	simm.s32 @!p2 $0x0  }
0x1d: {  	s5 =	simm.s32 @p1 $0x1;
	p0 =	seq.s32 s7, s2  }
0x1e: {  	s7 =	smul.u32 @!p0 $0xF7A, s2;
	p2 =	seq.s32 @!p0 s5, $0x0  }
0x1f: {  	s9 =	smul.u32 $0xF7A, s1;
	s8 =	simm.s32 @!p0 $0x1BF5;
	p2 =	por !p2, p0  }
0x20: {  	[sflag:s8] =	ssyncset.s32 @!p0 $0xFFFFF086;
	s6 =	sadd.s32 @!p0 s3, s7;
	s7 =	simm.s32 @!p0 $0x108  }
0x21: {  	s3 =	sadd.s32 s3, s9;
	s6 =	sadd.s32 @!p0 $0x88, s6;
	s7 =	simm.s32 @p2 $0x1082  }
0x22: {  	[simem:s7], [sflag:s8] =	dma.local @!p0 [hbm:s6], $0xF7A  }
0x23: {  	s9 =	sor.u32 $0xD0000000, s2;
	s6 =	simm.s32 $0x108;
	_ =	swait.ge @!p0 [sflag:s8], $0x0  }
0x24: {  	s3 =	sadd.s32 $0x88, s3;
	s6 =	simm.s32 @!p1 $0x1082;
	[sflag:s4] =	ssyncset.s32 $0xFFFFF086  }
0x25: {  	[simem:s6], [sflag:s4] =	dma.local [hbm:s3], $0xF7A  }
0x26: {  	[smem:$0x3F9E] =	sst s1;
	(tag) =	ssettag s2;
	_ =	strace s9  }
0x27: {  	s1 =	sld [smem:$0x3FAE]  }
0x28: {  	s2 =	sld [smem:$0x3FAF]  }
0x29: {  	s4 =	sld [smem:$0x3FB1]  }
0x2a: {  	p0 =	seq.s32 s5, $0x0;
	s5 =	sld [smem:$0x3FB2]  }
0x2b: {  	s6 =	sld [smem:$0x3FB3]  }
0x2c: {  	s7 =	sld [smem:$0x3FB4]  }
0x2d: {  	s3 =	simm.s32 $0x108;
	s8 =	sld [smem:$0x3FB5]  }
0x2e: {  	s3 =	simm.s32 @!p0 $0x1082;
	s9 =	sld [smem:$0x3FB6]  }
0x2f: {  	lr =	sadd.s32 s0, s3;
	s0 =	sld [smem:$0x3FAD]  }
0x30: {  	s3 =	sld [smem:$0x3FB0]  }
0x31: {  	[smem:$0x3FB9] =	sst s10  }
0x32: {  	s10 =	sld [smem:$0x3FB7];
	_ =	sdelay $0x3  }
0x33: {  	p0 =	seq.s32 s10, $0x1;
	s10 =	sld [smem:$0x3FB9];
	_ =	sdelay $0x3  }
0x34: {  	[smem:$0x3FB9] =	sst s10  }
0x35: {  	s10 =	sld [smem:$0x3FB8];
	_ =	sdelay $0x3  }
0x36: {  	p1 =	seq.s32 s10, $0x1;
	s10 =	sld [smem:$0x3FB9];
	_ =	sdelay $0x3  }
0x37: {  	[smem:$0x3FB9] =	sst s10  }
0x38: {  	s10 =	sld [smem:$0x3FBA]  }
0x39: {  	_ = 	snop;
	(pc) =	sbr.ind lr, $3  }
0x3a: {  	_ = 	snop  }
0x3b: {  	_ = 	snop  }
0x3c: {  	p2 =	seq.s32 s10, $0x1;
	s10 =	sld [smem:$0x3FB9]  }
0x3d: {  	_ =	shalt  }
0x3e: {  	_ =	shalt  }
0x3f: {  	_ =	shalt  }
0x40: {  	_ =	shalt  }
0x41: {  	_ =	shalt  }
0x42: {  	_ =	shalt  }
0x43: {  	_ =	shalt  }
0x44: {  	_ =	shalt  }
0x45: {  	_ =	shalt  }
0x46: {  	_ =	shalt  }
0x47: {  	_ =	shalt  }
0x48: {  	_ =	shalt  }
0x49: {  	_ =	shalt  }
0x4a: {  	_ =	shalt  }
0x4b: {  	_ =	shalt  }
0x4c: {  	_ =	shalt  }
0x4d: {  	_ =	shalt  }
0x4e: {  	_ =	shalt  }
0x4f: {  	_ =	shalt  }
0x50: {  	_ =	shalt  }
0x51: {  	_ =	shalt  }
0x52: {  	_ =	shalt  }
0x53: {  	_ =	shalt  }
0x54: {  	_ =	shalt  }
0x55: {  	_ =	shalt  }
0x56: {  	_ =	shalt  }
0x57: {  	_ =	shalt  }
0x58: {  	_ =	shalt  }
0x59: {  	_ =	shalt  }
0x5a: {  	_ =	shalt  }
0x5b: {  	_ =	shalt  }
0x5c: {  	_ =	shalt  }
0x5d: {  	_ =	shalt  }
0x5e: {  	_ =	shalt  }
0x5f: {  	_ =	shalt  }
0x60: {  	_ =	shalt  }
0x61: {  	_ =	shalt  }
0x62: {  	_ =	shalt  }
0x63: {  	_ =	shalt  }
0x64: {  	_ =	shalt  }
0x65: {  	_ =	shalt  }
0x66: {  	_ =	shalt  }
0x67: {  	_ =	shalt  }
0x68: {  	_ =	shalt  }
0x69: {  	_ =	shalt  }
0x6a: {  	_ =	shalt  }
0x6b: {  	_ =	shalt  }
0x6c: {  	_ =	shalt  }
0x6d: {  	_ =	shalt  }
0x6e: {  	_ =	shalt  }
0x6f: {  	_ =	shalt  }
0x70: {  	_ =	shalt  }
0x71: {  	_ =	shalt  }
0x72: {  	_ =	shalt  }
0x73: {  	_ =	shalt  }
0x74: {  	_ =	shalt  }
0x75: {  	_ =	shalt  }
0x76: {  	_ =	shalt  }
0x77: {  	_ =	shalt  }
0x78: {  	_ =	shalt  }
0x79: {  	_ =	shalt  }
0x7a: {  	_ =	shalt  }
0x7b: {  	_ =	shalt  }
0x7c: {  	_ =	shalt  }
0x7d: {  	_ =	shalt  }
0x7e: {  	_ =	shalt  }
0x7f: {  	_ =	shalt  }
0x80: {  	_ =	shalt  }
0x81: {  	_ =	shalt  }
0x82: {  	_ =	shalt  }
0x83: {  	_ =	shalt  }
0x84: {  	_ =	shalt  }
0x85: {  	_ =	shalt  }
0x86: {  	_ =	shalt  }
0x87: {  	_ =	shalt  }
.Lfunc_end0:
.L_simem_size_0:
called_computation_lowered:
.L_overlay_start_0:
0x88: {  	s2 =	sld [smem:$0x3FD9]  }
0x89: {  	s3 =	sld [smem:$0x3FFE];
	_ =	sdelay $0x1  }
0x8a: {  	s1 =	srdreg.scid  }
0x8b: {  	s0 =	sand.u32 $0x1, s1  }
0x8c: {  	s17 =	sshll.u32 s0, $0xA;
	s2 =	sadd.s32 s3, s2  }
0x8d: {  	s2 =	sadd.s32 s2, s17  }
0x8e: {  	[smem:$0x3FC5] =	sst s2  }
0x8f: {  	_ = 	snop  }
0x90: {  	s2 =	sld [smem:$0x3FC9]  }
0x91: {  	s18 =	sld [smem:$0x3FC8]  }
0x92: {  	s4 =	sld [smem:$0x3FD0];
	(tm) =	ssettm $0x1  }
0x93: {  	s5 =	sld [smem:$0x3FFB];
	_ =	sdelay $0x3  }
0x94: {  	_ =	strace s5  }
0x95: {  	s5 =	sld [smem:$0x3FFC];
	_ =	sdelay $0x3  }
0x96: {  	_ =	strace s5  }
0x97: {  	s5 =	sld [smem:$0x3FFD];
	_ =	sdelay $0x3  }
0x98: {  	_ =	strace s5  }
0x99: {  	_ =	strace $0x8FFFFFFF  }
0x9a: {  	s19 =	sld [smem:$0x3FDB];
	_ =	sdelay $0x1  }
0x9b: {  	s6 =	simm.s32 $_scs_section_size  }
0x9c: {  	s7 =	simm.s32 $_size__tile_overlayer_lowered;
	s8 =	simm.s32 $_tile_overlayer_lowered  }
0x9d: {  	s22 =	simm.s32 $0x1BFF;
	s21 =	sshll.u32 s8, $0x1;
	s5 =	sadd.s32 s6, s19  }
0x9e: {  	s9 =	simm.s32 $0x0;
	s20 =	sshll.u32 s7, $0x1;
	s7 =	sadd.s32 s21, s5  }
0x9f: {  	[timem:s9], [sflag:s22] =	dma.local [hbm:s7], s20  }
0xa0: {  	_ =	swait.ge [sflag:s22], s20  }
0xa1: {  	s6 =	ssub.s32 $0x0, s20;
	[sflag:s22] =	ssyncset.done $0x0  }
0xa2: {  	[sflag:s22] =	ssyncadd.s32 s6;
	_ =	sdelay $0x1  }
0xa3: {  	s23 =	simm.s32 $0x1B8B  }
0xa4: {  	_ =	swait.ge [sflag:s23], $0x1  }
0xa5: {  	[sflag:s23] =	ssyncset.done $0x0  }
0xa6: {  	s25 =	simm.s32 $0x1B8E;
	s24 =	sld [smem:$0x3FFE];
	[sflag:s23] =	ssyncadd.s32 $0xFFFFFFFF  }
0xa7: {  	s26 =	simm.s32 $execute0_lowered;
	[smem:$0x3FD2] =	sst s25  }
0xa8: {  	s7 =	sshll.u32 s26, $0x1;
	_ =	strace $0x80000046;
	[dreg:$0x1] =	wrdreg $0xFFFFFFFF  }
0xa9: {  	s28 =	simm.s32 $_size_execute0_lowered;
	s5 =	sadd.s32 s5, s7;
	[dreg:$0x0] =	wrdreg $0x0  }
0xaa: {  	s7 =	sshll.u32 s28, $0x1;
	[dreg:$0x2] =	wrdreg s5  }
0xab: {  	[dreg:$0x3] =	wrdreg s7  }
0xac: {  	[dreg:$0x4] =	wrdreg $0xC0  }
0xad: {  	_ =	task [dreg:s9], $0x5FFFF  }
0xae: {  	[dreg:$0x1] =	wrdreg $0xFFFFFFFF  }
0xaf: {  	[dreg:$0x0] =	wrdreg $0x60  }
0xb0: {  	[dreg:$0x2] =	wrdreg s2  }
0xb1: {  	[dreg:$0x3] =	wrdreg s18  }
0xb2: {  	[dreg:$0x4] =	wrdreg s24  }
0xb3: {  	[dreg:$0x5] =	wrdreg s4  }
0xb4: {  	[dreg:$0x6] =	wrdreg $0x9  }
0xb5: {  	_ =	task.clear_ibuf [dreg:s9], $0x7FFFF;
	_ =	strace $0x90000046  }
0xb6: {  	s29 =	simm.s32 $0x9;
	_ =	strace $0x80000048  }
0xb7: {  	_ =	swait.ge [sflag:s29], $0x1  }
0xb8: {  	[sflag:s29] =	ssyncadd.s32 $0xFFFFFFFF  }
0xb9: {  	_ =	strace $0x90000048  }
0xba: {  	_ =	sfence  }
0xbb: {  	s30 =	sld [smem:$0x0];
	_ =	sdelay $0x2  }
0xbc: {  	s31 =	sshll.u32 s1, $0xD;
	s1 =	sshrl.u32 s1, $0x2  }
0xbd: {  	s3 =	sand.u32 $0x4000, s31;
	s1 =	sadd.s32 s1, s30  }
0xbe: {  	s0 =	sor.u32 s3, s0;
	s1 =	sshll.u32 s1, $0x11  }
0xbf: {  	s0 =	sor.u32 s1, s0  }
0xc0: {  	s0 =	sadd.s32 $0x8F2B, s0  }
0xc1: {  	[sflag:s0] =	ssyncadd.remote.s32 $0x1  }
0xc2: {  	_ =	sfence.sel $0xFFFF  }
0xc3: {  	[dreg:$0x0] =	wrdreg $0xFFFFFFFF;
	(pc) =	sbr.abs _section_cstart, $3  }
0xc4: {  	[dreg:$0x1] =	wrdreg $0xFFFFFFFF  }
0xc5: {  	_ =	task.clear_ibuf [dreg:s9], $0x2FFFF;
	_ =	strace $0x9FFFFFFF  }
0xc6: {  	(tm) =	ssettm $0x7FFFFFFF  }
0xc7: {  	_ =	shalt  }
tec
execute0_lowered:
.L_overlay_start_1:
0x0: {  	(tag) =	ssettag $0x1  }
0x1: {  	s0 =	rddreg [dreg:$0x0]  }
0x2: {  	s1 =	rddreg [dreg:$0x2]  }
0x3: {  	s2 =	srdreg.scid;
	s4 =	stileid.u32  }
0x4: {  	s3 =	rddreg [dreg:$0x3];
	s18 =	simm.s32 $0x80;
	s15 =	simm.s32 $0xB220  }
0x5: {  	s16 =	simm.s32 $0xD220;
	s10 =	simm.s32 $0x15220;
	s11 =	simm.s32 $0x17220  }
0x6: {  	s12 =	simm.s32 $0x19220;
	s29 =	simm.s32 $0x4;
	s31 =	simm.s32 $0x5  }
0x7: {  	s2 =	sand.u32 $0x1, s2;
	s5 =	sshll.u32 s4, $0x1;
	s4 =	simm.s32 $0x0  }
0x8: {  	s17 =	simm.s32 $0x7;
	s6 =	sor.u32 s2, s5;
	[smem:$0x7FF] =	sst s4  }
0x9: {  	s5 =	sadd.s32 $0x400, s1;
	s20 =	ssub.s32 $0x2, s2;
	s7 =	smul.u32 $0x6400, s6  }
0xa: {  	_ =	strace $0x80000047;
	s2 =	sshrl.u32 s20, $0x1;
	s8 =	sshll.u32 s6, $0xB  }
0xb: {  	s25 =	smul.u32 $0x320000, s6;
	s6 =	simm.s32 $0x8;
	s1 =	ssub.s32 s20, s2  }
0xc: {  	s13 =	sand.u32 $0x7800, s8;
	s8 =	simm.s32 $0x11220;
	s20 =	simm.s32 $0x1  }
0xd: {  	s9 =	sshrl.u32 s7, $0x3;
	s28 =	sor.u32 $0x80, s7;
	s21 =	sor.u32 $0x200, s7  }
0xe: {  	s30 =	sor.u32 $0x100, s7;
	s22 =	sor.u32 $0x280, s7;
	[dreg:$0x6] =	wrdreg s21  }
0xf: {  	s2 =	sor.u32 $0x180, s7;
	s23 =	sor.u32 $0x300, s7;
	[dreg:$0x7] =	wrdreg s22  }
.Ltmp0:
0x10: {  	s24 =	sor.u32 $0x380, s7;
	[dreg:$0x8] =	wrdreg s23;
	(pc) =	sbr.rel .LBB2_1-.Ltmp0, $4  }
0x11: {  	s26 =	smax.u32 s1, $0x1;
	s7 =	simm.s32 $0xF220;
	[dreg:$0x9] =	wrdreg s24  }
0x12: {  	v0 =	vmov s13;
	s13 =	simm.s32 $0x0;
	s0 =	sadd.s32 s0, s9;
	[dreg:$0xa] =	wrdreg s26  }
0x13: {  	s9 =	simm.s32 $0x13220;
	s22 =	simm.s32 $0x40;
	s24 =	simm.s32 $0x2  }
0x14: {  	s26 =	simm.s32 $0x3;
	[dreg:$0x5] =	wrdreg s0;
	s0 =	simm.s32 $0x6  }
.LBB2_13:
0x15: {  	_ =	swait.ge [sflag:s20], $0x2000  }
0x16: {  	[sflag:s20] =	ssyncset.done $0x0  }
0x17: {  	[sflag:s20] =	ssyncadd.s32 $0xFFFFE000  }
0x18: {  	_ =	swait.ge [sflag:s24], $0x2000  }
0x19: {  	[sflag:s24] =	ssyncset.done $0x0  }
0x1a: {  	[sflag:s24] =	ssyncadd.s32 $0xFFFFE000  }
0x1b: {  	_ =	swait.ge [sflag:s26], $0x2000  }
0x1c: {  	[sflag:s26] =	ssyncset.done $0x0  }
0x1d: {  	[sflag:s26] =	ssyncadd.s32 $0xFFFFE000  }
0x1e: {  	_ =	swait.ge [sflag:s29], $0x2000  }
0x1f: {  	[sflag:s29] =	ssyncset.done $0x0  }
0x20: {  	[sflag:s29] =	ssyncadd.s32 $0xFFFFE000  }
0x21: {  	_ =	swait.ge [sflag:s31], $0x2000  }
0x22: {  	[sflag:s31] =	ssyncset.done $0x0  }
0x23: {  	[sflag:s31] =	ssyncadd.s32 $0xFFFFE000  }
0x24: {  	_ =	swait.ge [sflag:s0], $0x2000  }
0x25: {  	[sflag:s0] =	ssyncset.done $0x0  }
0x26: {  	[sflag:s0] =	ssyncadd.s32 $0xFFFFE000  }
0x27: {  	_ =	swait.ge [sflag:s17], $0x2000  }
0x28: {  	[sflag:s17] =	ssyncset.done $0x0  }
0x29: {  	[sflag:s17] =	ssyncadd.s32 $0xFFFFE000  }
0x2a: {  	_ =	swait.ge [sflag:s6], $0x2000  }
0x2b: {  	s13 =	rddreg [dreg:$0xb]  }
0x2c: {  	s1 =	rddreg [dreg:$0xa];
	s13 =	sadd.s32 $0x1, s13  }
0x2d: {  	p0 =	sne.s32 s13, s1  }
.Ltmp1:
0x2e: {  	_ = 	snop;
	(pc) =	sbr.rel @!p0 .LBB2_14-.Ltmp1, $3  }
0x2f: {  	_ =	sdelay $0x1  }
0x30: {  	[sflag:s6] =	ssyncset.done $0x0  }
0x31: {  	[sflag:s6] =	ssyncadd.s32 $0xFFFFE000  }
.LBB2_1:
0x32: {  	[dreg:$0xb] =	wrdreg s13  }
0x33: {  	s21 =	rddreg [dreg:$0x1];
	s1 =	simm.s32 $0x11  }
0x34: {  	[tilespmem:s4], [sflag:$0x11] =	stream.linear.gather [hbm4b:s21+s4], $0x4E20, $0x38;
	[tilespmem:$0x1B220] =	vst v63  }
0x35: {  	_ =	swait.ge [sflag:s1], $0x4E20  }
0x36: {  	[sflag:s1] =	ssyncset.done $0x0  }
0x37: {  	s14 =	simm.s32 $0x4E20;
	s23 =	rddreg [dreg:$0x5];
	[sflag:s1] =	ssyncadd.s32 $0xFFFFB1E0  }
0x38: {  	[tilespmem:s14], [sflag:$0x11] =	stream.linear.gather [hbm4b:s23+s4], $0x6400, $0x38;
	[tilespmem:$0x1B220] =	vst v63  }
0x39: {  	_ =	swait.ge [sflag:s1], $0x6400  }
0x3a: {  	[sflag:s1] =	ssyncset.done $0x0  }
0x3b: {  	s13 =	simm.s32 $0x0;
	[sflag:s1] =	ssyncadd.s32 $0xFFFF9C00  }
0x3c: {  	v1 =	vld [tilespmem:s13+$0x4E20];
	_ =	sdelay $0x6  }
0x3d: {  	s14 =	simm.s32 $0x0;
	v2 =	vld [tilespmem:s13+$0x4E30]  }
0x3e: {  	v1 =	vld.idx.msk [tilespmem:v1+s14+$0x0], $0xffff;
	_ =	sdelay $0x4  }
0x3f: {  	v1 =	vadd.s32 v0, v1  }
0x40: {  	[tilespmem:s13+$0x4E20] =	vst v1;
	v1 =	vld [tilespmem:s13+$0x4E40]  }
0x41: {  	v2 =	vld.idx.msk [tilespmem:v2+s14+$0x0], $0xffff;
	_ =	sdelay $0x4  }
0x42: {  	v2 =	vadd.s32 v0, v2  }
0x43: {  	[tilespmem:s13+$0x4E30] =	vst v2;
	v2 =	vld [tilespmem:s13+$0x4E50]  }
0x44: {  	v1 =	vld.idx.msk [tilespmem:v1+s14+$0x0], $0xffff;
	_ =	sdelay $0x4  }
0x45: {  	v1 =	vadd.s32 v0, v1  }
0x46: {  	[tilespmem:s13+$0x4E40] =	vst v1;
	v1 =	vld [tilespmem:s13+$0x4E60]  }
0x47: {  	v2 =	vld.idx.msk [tilespmem:v2+s14+$0x0], $0xffff;
	_ =	sdelay $0x4  }
0x48: {  	v2 =	vadd.s32 v0, v2  }
0x49: {  	[tilespmem:s13+$0x4E50] =	vst v2;
	v2 =	vld [tilespmem:s13+$0x4E70]  }
0x4a: {  	v1 =	vld.idx.msk [tilespmem:v1+s14+$0x0], $0xffff;
	_ =	sdelay $0x4  }
0x4b: {  	v1 =	vadd.s32 v0, v1  }
0x4c: {  	[tilespmem:s13+$0x4E60] =	vst v1;
	v1 =	vld [tilespmem:s13+$0x4E80]  }
0x4d: {  	v2 =	vld.idx.msk [tilespmem:v2+s14+$0x0], $0xffff;
	_ =	sdelay $0x4  }
0x4e: {  	v2 =	vadd.s32 v0, v2  }
0x4f: {  	[tilespmem:s13+$0x4E70] =	vst v2;
	v2 =	vld [tilespmem:s13+$0x4E90]  }
0x50: {  	v1 =	vld.idx.msk [tilespmem:v1+s14+$0x0], $0xffff;
	_ =	sdelay $0x4  }
0x51: {  	s23 =	simm.s32 $0x80;
	v3 =	vadd.s32 v0, v1  }
0x52: {  	v1 =	vld [tilespmem:s23+$0x4E20];
	[tilespmem:s13+$0x4E80] =	vst v3  }
0x53: {  	s19 =	simm.s32 $0x400;
	v2 =	vld.idx.msk [tilespmem:v2+s14+$0x0], $0xffff  }
.LBB2_2:
0x54: {  	_ =	sdelay $0x3  }
0x55: {  	p0 =	seq.s32 s19, $0xE00;
	s21 =	smov.u32 s19;
	s19 =	sadd.s32 $0x200, s19;
	v2 =	vadd.s32 v0, v2  }
0x56: {  	v3 =	vld [tilespmem:s23+$0x4E30];
	[tilespmem:s13+$0x4E90] =	vst v2;
	s13 =	smov.u32 s23  }
0x57: {  	v1 =	vld.idx.msk [tilespmem:v1+s14+$0x0], $0xffff;
	_ =	sdelay $0x5  }
0x58: {  	v1 =	vadd.s32 v0, v1  }
0x59: {  	[tilespmem:s13+$0x4E20] =	vst v1;
	v1 =	vld [tilespmem:s13+$0x4E40]  }
0x5a: {  	v2 =	vld.idx.msk [tilespmem:v3+s14+$0x0], $0xffff;
	_ =	sdelay $0x5  }
0x5b: {  	v2 =	vadd.s32 v0, v2  }
0x5c: {  	[tilespmem:s13+$0x4E30] =	vst v2;
	v2 =	vld [tilespmem:s13+$0x4E50]  }
0x5d: {  	v1 =	vld.idx.msk [tilespmem:v1+s14+$0x0], $0xffff;
	_ =	sdelay $0x5  }
0x5e: {  	v1 =	vadd.s32 v0, v1  }
0x5f: {  	[tilespmem:s13+$0x4E40] =	vst v1;
	v1 =	vld [tilespmem:s13+$0x4E60]  }
0x60: {  	v2 =	vld.idx.msk [tilespmem:v2+s14+$0x0], $0xffff;
	_ =	sdelay $0x5  }
0x61: {  	v2 =	vadd.s32 v0, v2  }
0x62: {  	[tilespmem:s13+$0x4E50] =	vst v2;
	v2 =	vld [tilespmem:s13+$0x4E70]  }
0x63: {  	v1 =	vld.idx.msk [tilespmem:v1+s14+$0x0], $0xffff;
	_ =	sdelay $0x5  }
0x64: {  	v1 =	vadd.s32 v0, v1  }
0x65: {  	[tilespmem:s13+$0x4E60] =	vst v1;
	v1 =	vld [tilespmem:s13+$0x4E80]  }
0x66: {  	v2 =	vld.idx.msk [tilespmem:v2+s14+$0x0], $0xffff;
	_ =	sdelay $0x5  }
0x67: {  	v2 =	vadd.s32 v0, v2  }
0x68: {  	[tilespmem:s13+$0x4E70] =	vst v2;
	v2 =	vld [tilespmem:s13+$0x4E90]  }
0x69: {  	v1 =	vld.idx.msk [tilespmem:v1+s14+$0x0], $0xffff;
	_ =	sdelay $0x3  }
.Ltmp2:
0x6a: {  	(pc) =	sbr.rel @!p0 .LBB2_2-.Ltmp2, $4  }
0x6b: {  	_ = 	snop  }
0x6c: {  	s23 =	sshra.s32 s21, $0x2;
	v3 =	vadd.s32 v0, v1  }
0x6d: {  	v1 =	vld [tilespmem:s23+$0x4E20];
	[tilespmem:s13+$0x4E80] =	vst v3  }
0x6e: {  	v2 =	vld.idx.msk [tilespmem:v2+s14+$0x0], $0xffff  }
0x6f: {  	_ =	sdelay $0x4  }
0x70: {  	v2 =	vadd.s32 v0, v2  }
0x71: {  	v3 =	vld [tilespmem:s23+$0x4E30];
	s14 =	simm.s32 $0x0;
	[tilespmem:s13+$0x4E90] =	vst v2  }
0x72: {  	v1 =	vld.idx.msk [tilespmem:v1+s14+$0x0], $0xffff;
	_ =	sdelay $0x4  }
0x73: {  	v1 =	vadd.s32 v0, v1  }
0x74: {  	[tilespmem:s23+$0x4E20] =	vst v1;
	v1 =	vld [tilespmem:s23+$0x4E40]  }
0x75: {  	v2 =	vld.idx.msk [tilespmem:v3+s14+$0x0], $0xffff;
	_ =	sdelay $0x4  }
0x76: {  	v2 =	vadd.s32 v0, v2  }
0x77: {  	[tilespmem:s23+$0x4E30] =	vst v2;
	v2 =	vld [tilespmem:s23+$0x4E50]  }
0x78: {  	v1 =	vld.idx.msk [tilespmem:v1+s14+$0x0], $0xffff;
	_ =	sdelay $0x4  }
0x79: {  	v1 =	vadd.s32 v0, v1  }
0x7a: {  	[tilespmem:s23+$0x4E40] =	vst v1;
	v1 =	vld [tilespmem:s23+$0x4E60]  }
0x7b: {  	v2 =	vld.idx.msk [tilespmem:v2+s14+$0x0], $0xffff;
	_ =	sdelay $0x4  }
0x7c: {  	v2 =	vadd.s32 v0, v2  }
0x7d: {  	[tilespmem:s23+$0x4E50] =	vst v2;
	v2 =	vld [tilespmem:s23+$0x4E70]  }
0x7e: {  	v1 =	vld.idx.msk [tilespmem:v1+s14+$0x0], $0xffff;
	_ =	sdelay $0x4  }
0x7f: {  	v1 =	vadd.s32 v0, v1  }
0x80: {  	[tilespmem:s23+$0x4E60] =	vst v1;
	v1 =	vld [tilespmem:s23+$0x4E80]  }
0x81: {  	v2 =	vld.idx.msk [tilespmem:v2+s14+$0x0], $0xffff;
	_ =	sdelay $0x4  }
0x82: {  	v2 =	vadd.s32 v0, v2  }
0x83: {  	[tilespmem:s23+$0x4E70] =	vst v2;
	v2 =	vld [tilespmem:s23+$0x4E90]  }
0x84: {  	v1 =	vld.idx.msk [tilespmem:v1+s14+$0x0], $0xffff;
	_ =	sdelay $0x4  }
0x85: {  	v1 =	vadd.s32 v0, v1  }
0x86: {  	[tilespmem:s23+$0x4E80] =	vst v1  }
0x87: {  	v1 =	vld.idx.msk [tilespmem:v2+s14+$0x0], $0xffff;
	_ =	sdelay $0x1  }
0x88: {  	p1 =	por $0x1, $0x1  }
.Ltmp3:
0x89: {  	_ = 	snop;
	(pc) =	sbr.rel @!p1 .LBB2_4-.Ltmp3, $4  }
0x8a: {  	_ = 	snop  }
0x8b: {  	v1 =	vadd.s32 v0, v1  }
0x8c: {  	s13 =	simm.s32 $0x0;
	[tilespmem:s23+$0x4E90] =	vst v1  }
0x8d: {  	p0 =	por $0x0, $0x0;
	v1 =	vld [tilespmem:s13+$0x5220]  }
0x8e: {  	_ =	sdelay $0x6  }
0x8f: {  	v2 =	vld [tilespmem:s13+$0x5230]  }
0x90: {  	v1 =	vld.idx.msk [tilespmem:v1+s4+$0x0], $0xffff;
	_ =	sdelay $0x4  }
0x91: {  	v1 =	vadd.s32 v0, v1  }
0x92: {  	[tilespmem:s13+$0x5220] =	vst v1;
	v1 =	vld [tilespmem:s13+$0x5240]  }
0x93: {  	v2 =	vld.idx.msk [tilespmem:v2+s4+$0x0], $0xffff;
	_ =	sdelay $0x4  }
0x94: {  	v2 =	vadd.s32 v0, v2  }
0x95: {  	[tilespmem:s13+$0x5230] =	vst v2;
	v2 =	vld [tilespmem:s13+$0x5250]  }
0x96: {  	v1 =	vld.idx.msk [tilespmem:v1+s4+$0x0], $0xffff;
	_ =	sdelay $0x4  }
0x97: {  	v1 =	vadd.s32 v0, v1  }
0x98: {  	[tilespmem:s13+$0x5240] =	vst v1;
	v1 =	vld [tilespmem:s13+$0x5260]  }
0x99: {  	v2 =	vld.idx.msk [tilespmem:v2+s4+$0x0], $0xffff;
	_ =	sdelay $0x4  }
0x9a: {  	v2 =	vadd.s32 v0, v2  }
0x9b: {  	[tilespmem:s13+$0x5250] =	vst v2;
	v2 =	vld [tilespmem:s13+$0x5270]  }
0x9c: {  	v1 =	vld.idx.msk [tilespmem:v1+s4+$0x0], $0xffff;
	_ =	sdelay $0x4  }
0x9d: {  	v1 =	vadd.s32 v0, v1  }
0x9e: {  	[tilespmem:s13+$0x5260] =	vst v1;
	v1 =	vld [tilespmem:s13+$0x5280]  }
0x9f: {  	v2 =	vld.idx.msk [tilespmem:v2+s4+$0x0], $0xffff;
	_ =	sdelay $0x4  }
0xa0: {  	v2 =	vadd.s32 v0, v2  }
0xa1: {  	[tilespmem:s13+$0x5270] =	vst v2;
	v2 =	vld [tilespmem:s13+$0x5290]  }
0xa2: {  	v1 =	vld.idx.msk [tilespmem:v1+s4+$0x0], $0xffff;
	_ =	sdelay $0x1  }
0xa3: {  	p1 =	por $0x1, $0x1  }
.Ltmp4:
0xa4: {  	_ = 	snop;
	(pc) =	sbr.rel @!p1 .LBB2_7-.Ltmp4, $4  }
0xa5: {  	_ = 	snop  }
0xa6: {  	s21 =	simm.s32 $0x80;
	v3 =	vadd.s32 v0, v1  }
0xa7: {  	v1 =	vld [tilespmem:s21+$0x5220];
	[tilespmem:s13+$0x5280] =	vst v3  }
0xa8: {  	s14 =	simm.s32 $0x400;
	p0 =	por $0x1, $0x1;
	v2 =	vld.idx.msk [tilespmem:v2+s4+$0x0], $0xffff  }
.LBB2_6:
0xa9: {  	_ =	sdelay $0x3  }
0xaa: {  	p1 =	sne.s32 s14, $0xE00;
	s19 =	smov.u32 s14;
	s14 =	sadd.s32 $0x200, s14;
	v2 =	vadd.s32 v0, v2  }
0xab: {  	v3 =	vld [tilespmem:s21+$0x5230];
	[tilespmem:s13+$0x5290] =	vst v2;
	s13 =	smov.u32 s21  }
0xac: {  	v1 =	vld.idx.msk [tilespmem:v1+s4+$0x0], $0xffff;
	_ =	sdelay $0x5  }
0xad: {  	v1 =	vadd.s32 v0, v1  }
0xae: {  	[tilespmem:s13+$0x5220] =	vst v1;
	v1 =	vld [tilespmem:s13+$0x5240]  }
0xaf: {  	v2 =	vld.idx.msk [tilespmem:v3+s4+$0x0], $0xffff;
	_ =	sdelay $0x5  }
0xb0: {  	v2 =	vadd.s32 v0, v2  }
0xb1: {  	[tilespmem:s13+$0x5230] =	vst v2;
	v2 =	vld [tilespmem:s13+$0x5250]  }
0xb2: {  	v1 =	vld.idx.msk [tilespmem:v1+s4+$0x0], $0xffff;
	_ =	sdelay $0x5  }
0xb3: {  	v1 =	vadd.s32 v0, v1  }
0xb4: {  	[tilespmem:s13+$0x5240] =	vst v1;
	v1 =	vld [tilespmem:s13+$0x5260]  }
0xb5: {  	v2 =	vld.idx.msk [tilespmem:v2+s4+$0x0], $0xffff;
	_ =	sdelay $0x5  }
0xb6: {  	v2 =	vadd.s32 v0, v2  }
0xb7: {  	[tilespmem:s13+$0x5250] =	vst v2;
	v2 =	vld [tilespmem:s13+$0x5270]  }
0xb8: {  	v1 =	vld.idx.msk [tilespmem:v1+s4+$0x0], $0xffff;
	_ =	sdelay $0x5  }
0xb9: {  	v1 =	vadd.s32 v0, v1  }
0xba: {  	[tilespmem:s13+$0x5260] =	vst v1;
	v1 =	vld [tilespmem:s13+$0x5280]  }
0xbb: {  	v2 =	vld.idx.msk [tilespmem:v2+s4+$0x0], $0xffff;
	_ =	sdelay $0x5  }
0xbc: {  	v2 =	vadd.s32 v0, v2  }
0xbd: {  	[tilespmem:s13+$0x5270] =	vst v2;
	v2 =	vld [tilespmem:s13+$0x5290]  }
0xbe: {  	v1 =	vld.idx.msk [tilespmem:v1+s4+$0x0], $0xffff;
	_ =	sdelay $0x3  }
.Ltmp5:
0xbf: {  	(pc) =	sbr.rel @p1 .LBB2_6-.Ltmp5, $4  }
0xc0: {  	_ = 	snop  }
0xc1: {  	s21 =	sshra.s32 s19, $0x2;
	v3 =	vadd.s32 v0, v1  }
0xc2: {  	v1 =	vld [tilespmem:s21+$0x5220];
	[tilespmem:s13+$0x5280] =	vst v3  }
0xc3: {  	v2 =	vld.idx.msk [tilespmem:v2+s4+$0x0], $0xffff  }
.LBB2_7:
0xc4: {  	_ =	sdelay $0x4  }
0xc5: {  	v2 =	vadd.s32 @p0 v0, v2  }
0xc6: {  	v3 =	vld [tilespmem:s21+$0x5230];
	[tilespmem:s13+$0x5290] =	vst @p0 v2  }
0xc7: {  	v1 =	vld.idx.msk [tilespmem:v1+s4+$0x0], $0xffff;
	_ =	sdelay $0x4  }
0xc8: {  	v1 =	vadd.s32 v0, v1  }
0xc9: {  	[tilespmem:s21+$0x5220] =	vst v1;
	v1 =	vld [tilespmem:s21+$0x5240]  }
0xca: {  	v2 =	vld.idx.msk [tilespmem:v3+s4+$0x0], $0xffff;
	_ =	sdelay $0x4  }
0xcb: {  	v2 =	vadd.s32 v0, v2  }
0xcc: {  	[tilespmem:s21+$0x5230] =	vst v2;
	v2 =	vld [tilespmem:s21+$0x5250]  }
0xcd: {  	v1 =	vld.idx.msk [tilespmem:v1+s4+$0x0], $0xffff;
	_ =	sdelay $0x4  }
0xce: {  	v1 =	vadd.s32 v0, v1  }
0xcf: {  	[tilespmem:s21+$0x5240] =	vst v1;
	v1 =	vld [tilespmem:s21+$0x5260]  }
0xd0: {  	v2 =	vld.idx.msk [tilespmem:v2+s4+$0x0], $0xffff;
	_ =	sdelay $0x4  }
0xd1: {  	v2 =	vadd.s32 v0, v2  }
0xd2: {  	[tilespmem:s21+$0x5250] =	vst v2;
	v2 =	vld [tilespmem:s21+$0x5270]  }
0xd3: {  	v1 =	vld.idx.msk [tilespmem:v1+s4+$0x0], $0xffff;
	_ =	sdelay $0x4  }
0xd4: {  	v1 =	vadd.s32 v0, v1  }
0xd5: {  	[tilespmem:s21+$0x5260] =	vst v1;
	v1 =	vld [tilespmem:s21+$0x5280]  }
0xd6: {  	v2 =	vld.idx.msk [tilespmem:v2+s4+$0x0], $0xffff;
	_ =	sdelay $0x4  }
0xd7: {  	v2 =	vadd.s32 v0, v2  }
0xd8: {  	[tilespmem:s21+$0x5270] =	vst v2;
	v2 =	vld [tilespmem:s21+$0x5290]  }
0xd9: {  	v1 =	vld.idx.msk [tilespmem:v1+s4+$0x0], $0xffff;
	_ =	sdelay $0x4  }
0xda: {  	v1 =	vadd.s32 v0, v1  }
0xdb: {  	[tilespmem:s21+$0x5280] =	vst v1  }
0xdc: {  	v1 =	vld.idx.msk [tilespmem:v2+s4+$0x0], $0xffff;
	_ =	sdelay $0x4  }
0xdd: {  	v1 =	vadd.s32 v0, v1  }
0xde: {  	s1 =	simm.s32 $0x4E20;
	[tilespmem:s21+$0x5290] =	vst v1  }
0xdf: {  	[tilespmem:s15], [sflag:$0x1] =	stream.indirect.gather [hbm4b:s5+s18], $0x40, s1, s18, $0xb8;
	[tilespmem:$0x1B220] =	vst v63  }
0xe0: {  	s13 =	simm.s32 $0x4EA0  }
0xe1: {  	[tilespmem:s16], [sflag:$0x2] =	stream.indirect.gather [hbm4b:s5+s18], $0x40, s13, s18, $0xb8;
	[tilespmem:$0x1B220] =	vst v63  }
0xe2: {  	s14 =	simm.s32 $0x4F20  }
0xe3: {  	[tilespmem:s7], [sflag:$0x3] =	stream.indirect.gather [hbm4b:s5+s18], $0x40, s14, s18, $0xb8;
	[tilespmem:$0x1B220] =	vst v63  }
0xe4: {  	s15 =	simm.s32 $0x4FA0  }
0xe5: {  	[tilespmem:s8], [sflag:$0x4] =	stream.indirect.gather [hbm4b:s5+s18], $0x40, s15, s18, $0xb8;
	[tilespmem:$0x1B220] =	vst v63  }
0xe6: {  	s16 =	simm.s32 $0x5020  }
0xe7: {  	[tilespmem:s9], [sflag:$0x5] =	stream.indirect.gather [hbm4b:s5+s18], $0x40, s16, s18, $0xb8;
	[tilespmem:$0x1B220] =	vst v63  }
0xe8: {  	s19 =	simm.s32 $0x50A0  }
0xe9: {  	[tilespmem:s10], [sflag:$0x6] =	stream.indirect.gather [hbm4b:s5+s18], $0x40, s19, s18, $0xb8;
	[tilespmem:$0x1B220] =	vst v63  }
.Ltmp6:
0xea: {  	_ = 	snop;
	(pc) =	sbr.rel .LBB2_8-.Ltmp6, $4  }
0xeb: {  	s21 =	simm.s32 $0x5120  }
0xec: {  	[tilespmem:s11], [sflag:$0x7] =	stream.indirect.gather [hbm4b:s5+s18], $0x40, s21, s18, $0xb8;
	[tilespmem:$0x1B220] =	vst v63  }
0xed: {  	s23 =	simm.s32 $0x51A0;
	s13 =	simm.s32 $0x0;
	s14 =	simm.s32 $0x5620  }
0xee: {  	[tilespmem:s12], [sflag:$0x8] =	stream.indirect.gather [hbm4b:s5+s18], $0x40, s23, s18, $0xb8;
	[tilespmem:$0x1B220] =	vst v63  }
.LBB2_12:
0xef: {  	s19 =	sshll.u32 s13, $0x11  }
0xf0: {  	_ =	swait.ge [sflag:s20], $0x2000;
	s19 =	sadd.s32 s25, s19  }
0xf1: {  	[sflag:s20] =	ssyncset.done $0x0;
	s19 =	sshrl.u32 s19, $0x3  }
0xf2: {  	s23 =	simm.s32 $0xB220;
	[sflag:s20] =	ssyncadd.s32 $0xFFFFE000;
	s19 =	sadd.s32 s3, s19  }
0xf3: {  	[hbm4b:s19+s22] =	stream.strided.scatter [tilespmem:s23], [sflag:$0x9], $0x2000, s18, s22, $0x38;
	[tilespmem:$0x1B220] =	vst v63  }
0xf4: {  	s19 =	sshll.u32 s13, $0xA  }
0xf5: {  	s21 =	sadd.s32 s19, s28  }
0xf6: {  	_ =	swait.ge [sflag:s24], $0x2000;
	s21 =	sshll.u32 s21, $0x4  }
0xf7: {  	s7 =	simm.s32 $0xD220;
	[sflag:s24] =	ssyncset.done $0x0;
	s21 =	sand.u32 $0x1FFFC800, s21  }
0xf8: {  	s10 =	sadd.s32 s19, s30;
	[sflag:s24] =	ssyncadd.s32 $0xFFFFE000;
	s21 =	sadd.s32 s3, s21  }
0xf9: {  	[hbm4b:s21+s22] =	stream.strided.scatter [tilespmem:s7], [sflag:$0xA], $0x2000, s18, s22, $0x38;
	[tilespmem:$0x1B220] =	vst v63  }
0xfa: {  	s21 =	sshll.u32 s10, $0x4;
	_ =	swait.ge [sflag:s26], $0x2000  }
0xfb: {  	s8 =	simm.s32 $0xF220;
	s21 =	sand.u32 $0x1FFFD000, s21;
	[sflag:s26] =	ssyncset.done $0x0  }
0xfc: {  	s11 =	sadd.s32 s19, s2;
	s21 =	sadd.s32 s3, s21;
	[sflag:s26] =	ssyncadd.s32 $0xFFFFE000  }
0xfd: {  	[hbm4b:s21+s22] =	stream.strided.scatter [tilespmem:s8], [sflag:$0xB], $0x2000, s18, s22, $0x38;
	[tilespmem:$0x1B220] =	vst v63  }
0xfe: {  	s9 =	simm.s32 $0x11220;
	s21 =	sshll.u32 s11, $0x4;
	_ =	swait.ge [sflag:s29], $0x2000  }
0xff: {  	s21 =	sand.u32 $0x1FFFD800, s21;
	[sflag:s29] =	ssyncset.done $0x0;
	s1 =	rddreg [dreg:$0x6]  }
0x100: {  	s21 =	sadd.s32 s3, s21;
	[sflag:s29] =	ssyncadd.s32 $0xFFFFE000;
	s12 =	sadd.s32 s19, s1  }
0x101: {  	[hbm4b:s21+s22] =	stream.strided.scatter [tilespmem:s9], [sflag:$0xC], $0x2000, s18, s22, $0x38;
	[tilespmem:$0x1B220] =	vst v63  }
0x102: {  	s10 =	simm.s32 $0x13220;
	s21 =	sshll.u32 s12, $0x4;
	_ =	swait.ge [sflag:s31], $0x2000  }
0x103: {  	s21 =	sand.u32 $0x1FFFE000, s21;
	[sflag:s31] =	ssyncset.done $0x0;
	s15 =	rddreg [dreg:$0x7]  }
0x104: {  	s21 =	sadd.s32 s3, s21;
	[sflag:s31] =	ssyncadd.s32 $0xFFFFE000;
	s16 =	sadd.s32 s19, s15  }
0x105: {  	[hbm4b:s21+s22] =	stream.strided.scatter [tilespmem:s10], [sflag:$0xD], $0x2000, s18, s22, $0x38;
	[tilespmem:$0x1B220] =	vst v63  }
0x106: {  	s21 =	sshll.u32 s16, $0x4;
	_ =	swait.ge [sflag:s0], $0x2000  }
0x107: {  	s21 =	sand.u32 $0x1FFFE800, s21;
	[sflag:s0] =	ssyncset.done $0x0  }
0x108: {  	s11 =	simm.s32 $0x15220;
	s21 =	sadd.s32 s3, s21;
	[sflag:s0] =	ssyncadd.s32 $0xFFFFE000  }
0x109: {  	[hbm4b:s21+s22] =	stream.strided.scatter [tilespmem:s11], [sflag:$0xE], $0x2000, s18, s22, $0x38;
	[tilespmem:$0x1B220] =	vst v63  }
0x10a: {  	s21 =	rddreg [dreg:$0x8]  }
0x10b: {  	s12 =	sadd.s32 s19, s21;
	_ =	swait.ge [sflag:s17], $0x2000  }
0x10c: {  	s21 =	sshll.u32 s12, $0x4;
	[sflag:s17] =	ssyncset.done $0x0  }
0x10d: {  	s12 =	simm.s32 $0x17220;
	s15 =	rddreg [dreg:$0x9];
	s21 =	sand.u32 $0x1FFFF000, s21  }
0x10e: {  	[sflag:s17] =	ssyncadd.s32 $0xFFFFE000;
	s19 =	sadd.s32 s19, s15;
	s21 =	sadd.s32 s3, s21  }
0x10f: {  	[hbm4b:s21+s22] =	stream.strided.scatter [tilespmem:s12], [sflag:$0xF], $0x2000, s18, s22, $0x38;
	[tilespmem:$0x1B220] =	vst v63  }
0x110: {  	s19 =	sshll.u32 s19, $0x4;
	_ =	swait.ge [sflag:s6], $0x2000  }
0x111: {  	s13 =	sadd.s32 $0x1, s13;
	s19 =	sand.u32 $0x1FFFF800, s19;
	[sflag:s6] =	ssyncset.done $0x0  }
0x112: {  	s1 =	simm.s32 $0x19220;
	s19 =	sadd.s32 s3, s19;
	[sflag:s6] =	ssyncadd.s32 $0xFFFFE000  }
0x113: {  	[hbm4b:s19+s22] =	stream.strided.scatter [tilespmem:s1], [sflag:$0x10], $0x2000, s18, s22, $0x38;
	[tilespmem:$0x1B220] =	vst v63  }
0x114: {  	s15 =	simm.s32 $0x9;
	s19 =	sshll.u32 s13, $0x3  }
0x115: {  	s16 =	smin.u32 s19, $0xC7;
	_ =	swait.ge [sflag:s15], $0x2000  }
0x116: {  	[sflag:s15] =	ssyncset.done $0x0;
	s21 =	sshll.u32 s16, $0x7  }
0x117: {  	[sflag:s15] =	ssyncadd.s32 $0xFFFFE000;
	s21 =	sadd.s32 $0x4E20, s21  }
0x118: {  	[tilespmem:s23], [sflag:$0x1] =	stream.indirect.gather [hbm4b:s5+s18], $0x40, s21, s18, $0xb8;
	[tilespmem:$0x1B220] =	vst v63  }
0x119: {  	s16 =	simm.s32 $0xA;
	s23 =	sor.u32 $0x1, s19  }
0x11a: {  	s21 =	smin.u32 s23, $0xC7;
	_ =	swait.ge [sflag:s16], $0x2000  }
0x11b: {  	[sflag:s16] =	ssyncset.done $0x0;
	s21 =	sshll.u32 s21, $0x7  }
0x11c: {  	[sflag:s16] =	ssyncadd.s32 $0xFFFFE000;
	s21 =	sadd.s32 $0x4E20, s21  }
0x11d: {  	[tilespmem:s7], [sflag:$0x2] =	stream.indirect.gather [hbm4b:s5+s18], $0x40, s21, s18, $0xb8;
	[tilespmem:$0x1B220] =	vst v63  }
0x11e: {  	s23 =	simm.s32 $0xB;
	s7 =	sor.u32 $0x2, s19  }
0x11f: {  	s21 =	smin.u32 s7, $0xC7;
	_ =	swait.ge [sflag:s23], $0x2000  }
0x120: {  	[sflag:s23] =	ssyncset.done $0x0;
	s21 =	sshll.u32 s21, $0x7  }
0x121: {  	[sflag:s23] =	ssyncadd.s32 $0xFFFFE000;
	s21 =	sadd.s32 $0x4E20, s21  }
0x122: {  	[tilespmem:s8], [sflag:$0x3] =	stream.indirect.gather [hbm4b:s5+s18], $0x40, s21, s18, $0xb8;
	[tilespmem:$0x1B220] =	vst v63  }
0x123: {  	s23 =	simm.s32 $0xC;
	s8 =	sor.u32 $0x3, s19  }
0x124: {  	s21 =	smin.u32 s8, $0xC7;
	_ =	swait.ge [sflag:s23], $0x2000  }
0x125: {  	[sflag:s23] =	ssyncset.done $0x0;
	s21 =	sshll.u32 s21, $0x7  }
0x126: {  	[sflag:s23] =	ssyncadd.s32 $0xFFFFE000;
	s21 =	sadd.s32 $0x4E20, s21  }
0x127: {  	[tilespmem:s9], [sflag:$0x4] =	stream.indirect.gather [hbm4b:s5+s18], $0x40, s21, s18, $0xb8;
	[tilespmem:$0x1B220] =	vst v63  }
0x128: {  	s23 =	simm.s32 $0xD;
	s9 =	sor.u32 $0x4, s19  }
0x129: {  	s21 =	smin.u32 s9, $0xC7;
	_ =	swait.ge [sflag:s23], $0x2000  }
0x12a: {  	s14 =	sadd.s32 $0x400, s14;
	[sflag:s23] =	ssyncset.done $0x0;
	s21 =	sshll.u32 s21, $0x7  }
0x12b: {  	p0 =	sne.s32 s13, $0x19;
	[sflag:s23] =	ssyncadd.s32 $0xFFFFE000;
	s21 =	sadd.s32 $0x4E20, s21  }
0x12c: {  	[tilespmem:s10], [sflag:$0x5] =	stream.indirect.gather [hbm4b:s5+s18], $0x40, s21, s18, $0xb8;
	[tilespmem:$0x1B220] =	vst v63  }
0x12d: {  	s15 =	simm.s32 $0xB220;
	s23 =	simm.s32 $0xE;
	s10 =	sor.u32 $0x5, s19  }
0x12e: {  	s16 =	simm.s32 $0xD220;
	s21 =	smin.u32 s10, $0xC7;
	_ =	swait.ge [sflag:s23], $0x2000  }
0x12f: {  	s19 =	sor.u32 $0x6, s19;
	[sflag:s23] =	ssyncset.done $0x0;
	s21 =	sshll.u32 s21, $0x7  }
0x130: {  	[sflag:s23] =	ssyncadd.s32 $0xFFFFE000;
	s21 =	sadd.s32 $0x4E20, s21;
	s23 =	simm.s32 $0xF  }
0x131: {  	[tilespmem:s11], [sflag:$0x6] =	stream.indirect.gather [hbm4b:s5+s18], $0x40, s21, s18, $0xb8;
	[tilespmem:$0x1B220] =	vst v63  }
0x132: {  	s7 =	simm.s32 $0xF220;
	s19 =	smin.u32 s19, $0xC7;
	_ =	swait.ge [sflag:s23], $0x2000  }
0x133: {  	s8 =	simm.s32 $0x11220;
	s19 =	sshll.u32 s19, $0x7;
	[sflag:s23] =	ssyncset.done $0x0  }
0x134: {  	s9 =	simm.s32 $0x13220;
	s19 =	sadd.s32 $0x4E20, s19;
	[sflag:s23] =	ssyncadd.s32 $0xFFFFE000  }
0x135: {  	[tilespmem:s12], [sflag:$0x7] =	stream.indirect.gather [hbm4b:s5+s18], $0x40, s19, s18, $0xb8;
	[tilespmem:$0x1B220] =	vst v63  }
.Ltmp7:
0x136: {  	s21 =	sshllo.u32 s13, $0x3;
	s23 =	simm.s32 $0x10;
	(pc) =	sbr.rel @!p0 .LBB2_13-.Ltmp7, $4  }
0x137: {  	s10 =	simm.s32 $0x15220;
	s19 =	smin.u32 s21, $0xC7;
	_ =	swait.ge [sflag:s23], $0x2000  }
0x138: {  	s11 =	simm.s32 $0x17220;
	s19 =	sshll.u32 s19, $0x7;
	[sflag:s23] =	ssyncset.done $0x0  }
0x139: {  	s12 =	simm.s32 $0x19220;
	s19 =	sadd.s32 $0x4E20, s19;
	[sflag:s23] =	ssyncadd.s32 $0xFFFFE000  }
0x13a: {  	[tilespmem:s1], [sflag:$0x8] =	stream.indirect.gather [hbm4b:s5+s18], $0x40, s19, s18, $0xb8;
	[tilespmem:$0x1B220] =	vst v63  }
.LBB2_8:
0x13b: {  	p0 =	sgt.u32 s13, $0x16  }
.Ltmp8:
0x13c: {  	_ = 	snop;
	(pc) =	sbr.rel @p0 .LBB2_12-.Ltmp8, $1  }
0x13d: {  	_ =	sdelay $0x3  }
0x13e: {  	s19 =	sadd.s32 $0x0, s14  }
0x13f: {  	v1 =	vld [tilespmem:s19+$0x0];
	_ =	sdelay $0x6  }
0x140: {  	v2 =	vld [tilespmem:s19+$0x10]  }
0x141: {  	v1 =	vld.idx.msk [tilespmem:v1+s4+$0x0], $0xffff;
	_ =	sdelay $0x4  }
0x142: {  	v1 =	vadd.s32 v0, v1  }
0x143: {  	[tilespmem:s19+$0x0] =	vst v1;
	v1 =	vld [tilespmem:s19+$0x20]  }
0x144: {  	v2 =	vld.idx.msk [tilespmem:v2+s4+$0x0], $0xffff;
	_ =	sdelay $0x4  }
0x145: {  	v2 =	vadd.s32 v0, v2  }
0x146: {  	[tilespmem:s19+$0x10] =	vst v2;
	v2 =	vld [tilespmem:s19+$0x30]  }
0x147: {  	v1 =	vld.idx.msk [tilespmem:v1+s4+$0x0], $0xffff;
	_ =	sdelay $0x4  }
0x148: {  	v1 =	vadd.s32 v0, v1  }
0x149: {  	[tilespmem:s19+$0x20] =	vst v1;
	v1 =	vld [tilespmem:s19+$0x40]  }
0x14a: {  	v2 =	vld.idx.msk [tilespmem:v2+s4+$0x0], $0xffff;
	_ =	sdelay $0x4  }
0x14b: {  	v2 =	vadd.s32 v0, v2  }
0x14c: {  	[tilespmem:s19+$0x30] =	vst v2;
	v2 =	vld [tilespmem:s19+$0x50]  }
0x14d: {  	v1 =	vld.idx.msk [tilespmem:v1+s4+$0x0], $0xffff;
	_ =	sdelay $0x4  }
0x14e: {  	v1 =	vadd.s32 v0, v1  }
0x14f: {  	[tilespmem:s19+$0x40] =	vst v1;
	v1 =	vld [tilespmem:s19+$0x60]  }
0x150: {  	v2 =	vld.idx.msk [tilespmem:v2+s4+$0x0], $0xffff;
	_ =	sdelay $0x4  }
0x151: {  	v2 =	vadd.s32 v0, v2  }
0x152: {  	[tilespmem:s19+$0x50] =	vst v2;
	v2 =	vld [tilespmem:s19+$0x70]  }
0x153: {  	v1 =	vld.idx.msk [tilespmem:v1+s4+$0x0], $0xffff;
	_ =	sdelay $0x3  }
0x154: {  	s1 =	smov.u32 s2;
	s2 =	smov.u32 s30  }
0x155: {  	s30 =	smov.u32 s28;
	s28 =	smov.u32 s25;
	s25 =	sadd.s32 $0x80, s14;
	v3 =	vadd.s32 v0, v1  }
0x156: {  	v1 =	vld [tilespmem:s25+$0x0];
	[tilespmem:s19+$0x60] =	vst v3  }
0x157: {  	s21 =	simm.s32 $0x400;
	v2 =	vld.idx.msk [tilespmem:v2+s4+$0x0], $0xffff  }
.LBB2_10:
0x158: {  	_ =	sdelay $0x3  }
0x159: {  	p0 =	sne.s32 s21, $0xE00;
	s23 =	smov.u32 s21;
	s21 =	sadd.s32 $0x200, s21;
	v2 =	vadd.s32 v0, v2  }
0x15a: {  	v3 =	vld [tilespmem:s25+$0x10];
	[tilespmem:s19+$0x70] =	vst v2;
	s19 =	smov.u32 s25  }
0x15b: {  	v1 =	vld.idx.msk [tilespmem:v1+s4+$0x0], $0xffff;
	_ =	sdelay $0x5  }
0x15c: {  	v1 =	vadd.s32 v0, v1  }
0x15d: {  	[tilespmem:s19+$0x0] =	vst v1;
	v1 =	vld [tilespmem:s19+$0x20]  }
0x15e: {  	v2 =	vld.idx.msk [tilespmem:v3+s4+$0x0], $0xffff;
	_ =	sdelay $0x5  }
0x15f: {  	v2 =	vadd.s32 v0, v2  }
0x160: {  	[tilespmem:s19+$0x10] =	vst v2;
	v2 =	vld [tilespmem:s19+$0x30]  }
0x161: {  	v1 =	vld.idx.msk [tilespmem:v1+s4+$0x0], $0xffff;
	_ =	sdelay $0x5  }
0x162: {  	v1 =	vadd.s32 v0, v1  }
0x163: {  	[tilespmem:s19+$0x20] =	vst v1;
	v1 =	vld [tilespmem:s19+$0x40]  }
0x164: {  	v2 =	vld.idx.msk [tilespmem:v2+s4+$0x0], $0xffff;
	_ =	sdelay $0x5  }
0x165: {  	v2 =	vadd.s32 v0, v2  }
0x166: {  	[tilespmem:s19+$0x30] =	vst v2;
	v2 =	vld [tilespmem:s19+$0x50]  }
0x167: {  	v1 =	vld.idx.msk [tilespmem:v1+s4+$0x0], $0xffff;
	_ =	sdelay $0x5  }
0x168: {  	v1 =	vadd.s32 v0, v1  }
0x169: {  	[tilespmem:s19+$0x40] =	vst v1;
	v1 =	vld [tilespmem:s19+$0x60]  }
0x16a: {  	v2 =	vld.idx.msk [tilespmem:v2+s4+$0x0], $0xffff;
	_ =	sdelay $0x5  }
0x16b: {  	v2 =	vadd.s32 v0, v2  }
0x16c: {  	[tilespmem:s19+$0x50] =	vst v2;
	v2 =	vld [tilespmem:s19+$0x70]  }
0x16d: {  	v1 =	vld.idx.msk [tilespmem:v1+s4+$0x0], $0xffff;
	_ =	sdelay $0x3  }
.Ltmp9:
0x16e: {  	(pc) =	sbr.rel @p0 .LBB2_10-.Ltmp9, $4  }
0x16f: {  	s23 =	sshra.s32 s23, $0x2  }
0x170: {  	s25 =	sadd.s32 s23, s14;
	v3 =	vadd.s32 v0, v1  }
0x171: {  	v1 =	vld [tilespmem:s25+$0x0];
	[tilespmem:s19+$0x60] =	vst v3  }
0x172: {  	v2 =	vld.idx.msk [tilespmem:v2+s4+$0x0], $0xffff  }
0x173: {  	_ =	sdelay $0x4  }
0x174: {  	v2 =	vadd.s32 v0, v2  }
0x175: {  	v3 =	vld [tilespmem:s25+$0x10];
	[tilespmem:s19+$0x70] =	vst v2  }
0x176: {  	v1 =	vld.idx.msk [tilespmem:v1+s4+$0x0], $0xffff;
	_ =	sdelay $0x4  }
0x177: {  	v1 =	vadd.s32 v0, v1  }
0x178: {  	[tilespmem:s25+$0x0] =	vst v1;
	v1 =	vld [tilespmem:s25+$0x20]  }
0x179: {  	v2 =	vld.idx.msk [tilespmem:v3+s4+$0x0], $0xffff;
	_ =	sdelay $0x4  }
0x17a: {  	v2 =	vadd.s32 v0, v2  }
0x17b: {  	[tilespmem:s25+$0x10] =	vst v2;
	v2 =	vld [tilespmem:s25+$0x30]  }
0x17c: {  	v1 =	vld.idx.msk [tilespmem:v1+s4+$0x0], $0xffff;
	_ =	sdelay $0x4  }
0x17d: {  	v1 =	vadd.s32 v0, v1  }
0x17e: {  	[tilespmem:s25+$0x20] =	vst v1;
	v1 =	vld [tilespmem:s25+$0x40]  }
0x17f: {  	v2 =	vld.idx.msk [tilespmem:v2+s4+$0x0], $0xffff;
	_ =	sdelay $0x4  }
0x180: {  	v2 =	vadd.s32 v0, v2  }
0x181: {  	[tilespmem:s25+$0x30] =	vst v2;
	v2 =	vld [tilespmem:s25+$0x50]  }
0x182: {  	v1 =	vld.idx.msk [tilespmem:v1+s4+$0x0], $0xffff;
	_ =	sdelay $0x4  }
0x183: {  	v1 =	vadd.s32 v0, v1  }
0x184: {  	[tilespmem:s25+$0x40] =	vst v1;
	v1 =	vld [tilespmem:s25+$0x60]  }
0x185: {  	v2 =	vld.idx.msk [tilespmem:v2+s4+$0x0], $0xffff;
	_ =	sdelay $0x4  }
0x186: {  	v2 =	vadd.s32 v0, v2  }
0x187: {  	[tilespmem:s25+$0x50] =	vst v2;
	v2 =	vld [tilespmem:s25+$0x70]  }
0x188: {  	v1 =	vld.idx.msk [tilespmem:v1+s4+$0x0], $0xffff;
	_ =	sdelay $0x4  }
0x189: {  	v1 =	vadd.s32 v0, v1  }
0x18a: {  	[tilespmem:s25+$0x60] =	vst v1  }
0x18b: {  	v1 =	vld.idx.msk [tilespmem:v2+s4+$0x0], $0xffff;
	_ =	sdelay $0x2  }
.Ltmp10:
0x18c: {  	_ = 	snop;
	(pc) =	sbr.rel .LBB2_12-.Ltmp10, $4  }
0x18d: {  	_ = 	snop  }
0x18e: {  	v1 =	vadd.s32 v0, v1  }
0x18f: {  	[tilespmem:s25+$0x70] =	vst v1;
	s25 =	smov.u32 s28  }
0x190: {  	s28 =	smov.u32 s30;
	s30 =	smov.u32 s2;
	s2 =	smov.u32 s1  }
.LBB2_4:
.Ltmp11:
0x191: {  	(pc) =	sbr.rel .LBB2_7-.Ltmp11, $2  }
0x192: {  	_ =	sdelay $0x2  }
0x193: {  	s21 =	simm.s32 $0x0  }
.LBB2_14:
0x194: {  	_ =	sfence.sel $0x180000  }
0x195: {  	[bflag:$0x0] =	sbarrier.arrive $0xFFFF  }
0x196: {  	_ =	strace $0x90000047  }
0x197: {  	s0 =	stileid.u32;
	[bflag:$0x2] =	sbarrier.arrive $0xFFFF  }
0x198: {  	p0 =	sne.s32 s0, $0x0;
	s0 =	rddreg [dreg:$0x4]  }
0x199: {  	s0 =	sadd.s32 @!p0 $0x100000, s0  }
0x19a: {  	[sflag:s0] =	ssyncadd.tile.s32 @!p0 $0x1;
	_ =	shalt  }
.Lfunc_end2:
_tile_overlayer_lowered:
.L_overlay_start_2:
0x19b: {  	(tag) =	ssettag $0x2  }
0x19c: {  	s0 =	rddreg [dreg:$0x0];
	s2 =	stileid.u32  }
0x19d: {  	s1 =	rddreg [dreg:$0x1];
	p0 =	sne.s32 s2, $0x0  }
0x19e: {  	s3 =	rddreg [dreg:$0x2];
	[bflag:$0x3] =	sbarrier.arrive $0xFFFF;
	s2 =	simm.s32 @!p0 $0x1C11  }
0x19f: {  	[timem:s3], [sflag:s2] =	dma.local @!p0 [hbm:s0], s1  }
0x1a0: {  	s0 =	simm.s32 @!p0 $0x11  }
0x1a1: {  	_ =	swait.ge @!p0 [sflag:s0], s1  }
0x1a2: {  	s1 =	ssub.s32 @!p0 $0x0, s1;
	[sflag:s0] =	ssyncset.done @!p0 $0x0  }
0x1a3: {  	[sflag:s0] =	ssyncadd.s32 @!p0 s1  }
0x1a4: {  	[bflag:$0x3] =	sbarrier.arrive $0xFFFF  }
0x1a5: {  	_ =	shalt  }

</sc_bundles>
